<compile_context>
chip_gen: v7x
topology: tpu7x:2x2x1
jax: 0.10.2.dev20260603
libtpu: 0.0.44.dev20260713+nightly
codegen_flags: <defaults>
</compile_context>

<pallas_src>
import functools

import jax
import jax.numpy as jnp
from jax import lax
from jax.experimental import pallas as pl
from jax.experimental.pallas import tpu as pltpu
from jax.experimental.pallas import tpu_sc as plsc

NC = 2
NS = 16
L = 16
NW = NC * NS

CH = 128


def _wid():
    return lax.axis_index("s") * NC + lax.axis_index("c")


@functools.lru_cache(maxsize=None)
def _build_table_kernel(buf_size: int, batch: int):
    tslice = ((buf_size + NW - 1) // NW + L - 1) // L * L
    npad = NW * tslice
    nchunks = batch // L
    assert batch % L == 0

    mesh = plsc.VectorSubcoreMesh(core_axis_name="c", subcore_axis_name="s")

    @functools.partial(
        pl.kernel,
        out_type=jax.ShapeDtypeStruct((npad,), jnp.int32),
        mesh=mesh,
        compiler_params=pltpu.CompilerParams(needs_layout_passes=False,
                                             use_tc_tiling_on_sc=False),
        scratch_types=[
            pltpu.VMEM((tslice,), jnp.int32),
            pltpu.VMEM((batch,), jnp.int32),
        ],
    )
    def build(widx_hbm, table_hbm, tsl, widx_v):
        wid = _wid()
        base = wid * tslice
        zero = jnp.zeros((L,), jnp.int32)

        def memset(i, carry):
            tsl[pl.ds(i * 2 * L, L)] = zero
            tsl[pl.ds(i * 2 * L + L, L)] = zero
            return carry

        lax.fori_loop(0, tslice // (2 * L), memset, 0)

        pltpu.sync_copy(widx_hbm, widx_v)

        iota = lax.iota(jnp.int32, L)

        def chunk(c, carry):
            idx = widx_v[pl.ds(c * L, L)]
            loc = idx - base
            m0 = (idx >= base) & (idx < base + tslice)
            vals = iota + (c * L + 1)

            def cond(carry_in):
                _, n = carry_in
                return n > 0

            def body(carry_in):
                m, _ = carry_in
                plsc.store_scatter(tsl, [loc], vals, mask=m)
                r = plsc.load_gather(tsl, [loc], mask=m)
                m2 = m & (r < vals)
                return m2, jnp.sum(jnp.where(m2, 1, 0))

            n0 = jnp.sum(jnp.where(m0, 1, 0))
            lax.while_loop(cond, body, (m0, n0))
            return carry

        lax.fori_loop(0, nchunks, chunk, 0)

        pltpu.sync_copy(tsl, table_hbm.at[pl.ds(base, tslice)])

    return build, npad


@functools.lru_cache(maxsize=None)
def _sample_kernel(buf_size: int, batch: int, q: int, d: int, npad: int):
    sq = q // NW
    assert q % NW == 0 and sq % CH == 0 and d % L == 0
    nk = sq // CH

    mesh = plsc.VectorSubcoreMesh(core_axis_name="c", subcore_axis_name="s")

    f32 = jnp.float32
    i32 = jnp.int32

    @functools.partial(
        pl.kernel,
        out_type=(
            jax.ShapeDtypeStruct((q, d), f32),
            jax.ShapeDtypeStruct((q,), i32),
            jax.ShapeDtypeStruct((q,), f32),
            jax.ShapeDtypeStruct((q, d), f32),
            jax.ShapeDtypeStruct((q,), f32),
        ),
        mesh=mesh,
        compiler_params=pltpu.CompilerParams(needs_layout_passes=False,
                                             use_tc_tiling_on_sc=False),
        scratch_types=[
            pltpu.VMEM((nk, CH), i32),
            pltpu.VMEM((nk, CH), i32),
            pltpu.VMEM((nk, CH), i32),
            pltpu.VMEM((sq, d), f32),
            pltpu.VMEM((sq, d), f32),
            pltpu.VMEM((sq,), i32),
            pltpu.VMEM((sq,), i32),
            pltpu.VMEM((sq,), f32),
            pltpu.VMEM((sq,), f32),
            pltpu.VMEM((sq,), f32),
            pltpu.VMEM((sq,), f32),
            pltpu.SMEM((nk, CH), i32),
            pltpu.SMEM((nk, CH), i32),
            pltpu.VMEM_SHARED((NS, 2, nk, CH), i32),
            pltpu.SemaphoreType.DMA,
            pltpu.SemaphoreType.DMA,
        ],
    )
    def sample(table, sidx_hbm, obs, nobs, act, rew, don,
               nu_obs, nu_nobs, nu_act, nu_rew, nu_don,
               o_obs, o_act, o_rew, o_nobs, o_don,
               sidx_v, m_v, nidx_v, rows_o, rows_n,
               act_old, act_new, rew_old, rew_new, don_old, don_new,
               sidx_s, m_s, hop, sem, rsem):
        wid = _wid()
        qbase = wid * sq

        for k in range(nk):
            pltpu.sync_copy(sidx_hbm.at[pl.ds(qbase + k * CH, CH)],
                            sidx_v.at[k])

        descs = [pltpu.async_copy(table.at[sidx_v.at[k]], m_v.at[k], sem)
                 for k in range(nk)]
        for dsc in descs:
            dsc.wait()

        sid = lax.axis_index("s")
        pltpu.sync_copy(sidx_v, hop.at[sid, 0])
        pltpu.sync_copy(m_v, hop.at[sid, 1])
        pltpu.sync_copy(hop.at[sid, 0], sidx_s)
        pltpu.sync_copy(hop.at[sid, 1], m_s)

        def mk_nidx(i, carry):
            k = i // (CH // L)
            s = (i % (CH // L)) * L
            mv = m_v[k, pl.ds(s, L)]
            nidx_v[k, pl.ds(s, L)] = jnp.maximum(mv - 1, 0)
            return carry

        lax.fori_loop(0, nk * (CH // L), mk_nidx, 0)

        descs = []
        for k in range(nk):
            descs.append(pltpu.async_copy(
                act.at[sidx_v.at[k]], act_old.at[pl.ds(k * CH, CH)], sem))
            descs.append(pltpu.async_copy(
                nu_act.at[nidx_v.at[k]], act_new.at[pl.ds(k * CH, CH)], sem))
            descs.append(pltpu.async_copy(
                rew.at[sidx_v.at[k]], rew_old.at[pl.ds(k * CH, CH)], sem))
            descs.append(pltpu.async_copy(
                nu_rew.at[nidx_v.at[k]], rew_new.at[pl.ds(k * CH, CH)], sem))
            descs.append(pltpu.async_copy(
                don.at[sidx_v.at[k]], don_old.at[pl.ds(k * CH, CH)], sem))
            descs.append(pltpu.async_copy(
                nu_don.at[nidx_v.at[k]], don_new.at[pl.ds(k * CH, CH)], sem))

        def row_fetch(i, carry):
            k = i // CH
            c = i % CH
            mi = m_s[k, c]

            @pl.when(mi > 0)
            def _():
                pltpu.async_copy(nu_obs.at[pl.ds(mi - 1, 1)],
                                 rows_o.at[pl.ds(i, 1)], rsem)
                pltpu.async_copy(nu_nobs.at[pl.ds(mi - 1, 1)],
                                 rows_n.at[pl.ds(i, 1)], rsem)

            @pl.when(mi <= 0)
            def _():
                si = sidx_s[k, c]
                pltpu.async_copy(obs.at[pl.ds(si, 1)],
                                 rows_o.at[pl.ds(i, 1)], rsem)
                pltpu.async_copy(nobs.at[pl.ds(si, 1)],
                                 rows_n.at[pl.ds(i, 1)], rsem)

            return carry

        lax.fori_loop(0, sq, row_fetch, 0)

        for dsc in descs:
            dsc.wait()

        iota = lax.iota(jnp.int32, L)

        def merge_small(g, carry):
            k = g // (CH // L)
            s = (g % (CH // L)) * L
            m = m_v[k, pl.ds(s, L)] > 0

            @pl.when(jnp.any(m))
            def _():
                i_vec = g * L + iota
                for old_r, new_r in ((act_old, act_new), (rew_old, rew_new),
                                     (don_old, don_new)):
                    v = plsc.load_gather(new_r, [i_vec], mask=m)
                    plsc.store_scatter(old_r, [i_vec], v, mask=m)

            return carry

        lax.fori_loop(0, sq // L, merge_small, 0)

        pltpu.make_async_copy(obs.at[pl.ds(0, sq)], rows_o, rsem).wait()
        pltpu.make_async_copy(nobs.at[pl.ds(0, sq)], rows_n, rsem).wait()

        pltpu.sync_copy(rows_o, o_obs.at[pl.ds(qbase, sq)])
        pltpu.sync_copy(rows_n, o_nobs.at[pl.ds(qbase, sq)])
        pltpu.sync_copy(act_old, o_act.at[pl.ds(qbase, sq)])
        pltpu.sync_copy(rew_old, o_rew.at[pl.ds(qbase, sq)])
        pltpu.sync_copy(don_old, o_don.at[pl.ds(qbase, sq)])

    return sample


def kernel(obs, actions, rewards, next_obs, dones,
           new_obs, new_actions, new_rewards, new_next_obs, new_dones,
           write_idx, sample_idx):
    buf_size, d = obs.shape
    batch = write_idx.shape[0]
    q = sample_idx.shape[0]

    build, npad = _build_table_kernel(buf_size, batch)
    table = build(write_idx)

    sample = _sample_kernel(buf_size, batch, q, d, npad)
    out = sample(table, sample_idx, obs, next_obs,
                 actions.reshape(buf_size), rewards.reshape(buf_size),
                 dones.reshape(buf_size),
                 new_obs, new_next_obs, new_actions.reshape(batch),
                 new_rewards.reshape(batch), new_dones.reshape(batch))
    return (out[0], out[1].reshape(q, 1), out[2].reshape(q, 1),
            out[3], out[4].reshape(q, 1))

# --- scband reference (transcript-rebuilt; emitter-appended) ---
"""Pipeline reference for scband-replay-buffer-4638564680009 (READ-ONLY COPY).

The authoritative reference and input builder live on the scoring server;
editing this copy changes nothing except your own understanding.
"""

import jax, jax.numpy as jnp
import numpy as np

BUFFER_SIZE = 1000000
OBS_DIM = 64
B = 16384
Q = 16384


def setup_inputs(seed: int = 0) -> dict:
    key = jax.random.key(seed)
    ks = jax.random.split(key, 12)
    obs = jax.random.normal(ks[0], (BUFFER_SIZE, OBS_DIM), dtype=jnp.float32)
    actions = jax.random.randint(ks[1], (BUFFER_SIZE, 1), 0, 10, dtype=jnp.int32)
    rewards = jax.random.normal(ks[2], (BUFFER_SIZE, 1), dtype=jnp.float32)
    next_obs = jax.random.normal(ks[3], (BUFFER_SIZE, OBS_DIM), dtype=jnp.float32)
    dones = jnp.zeros((BUFFER_SIZE, 1), dtype=jnp.float32)
    new_obs = jax.random.normal(ks[4], (B, OBS_DIM), dtype=jnp.float32)
    new_actions = jax.random.randint(ks[5], (B, 1), 0, 10, dtype=jnp.int32)
    new_rewards = jax.random.normal(ks[6], (B, 1), dtype=jnp.float32)
    new_next_obs = jax.random.normal(ks[7], (B, OBS_DIM), dtype=jnp.float32)
    new_dones = jax.random.uniform(ks[8], (B, 1), dtype=jnp.float32)
    write_idx = jax.random.randint(ks[9], (B,), 0, BUFFER_SIZE, dtype=jnp.int32)
    sample_idx = jax.random.randint(ks[10], (Q,), 0, BUFFER_SIZE, dtype=jnp.int32)
    return {
        'obs': obs, 'actions': actions, 'rewards': rewards,
        'next_obs': next_obs, 'dones': dones,
        'new_obs': new_obs, 'new_actions': new_actions,
        'new_rewards': new_rewards, 'new_next_obs': new_next_obs,
        'new_dones': new_dones,
        'write_idx': write_idx, 'sample_idx': sample_idx,
    }


def reference(obs, actions, rewards, next_obs, dones,
              new_obs, new_actions, new_rewards, new_next_obs, new_dones,
              write_idx, sample_idx):
    # ReplayBuffer.add, vectorized over a batch of B transitions:
    # scatter-overwrite each transition into the circular buffer slots.
    obs_b = obs.at[write_idx].set(new_obs)
    actions_b = actions.at[write_idx].set(new_actions)
    rewards_b = rewards.at[write_idx].set(new_rewards)
    next_obs_b = next_obs.at[write_idx].set(new_next_obs)
    dones_b = dones.at[write_idx].set(new_dones)
    # ReplayBuffer.sample: gather a batch of transitions by index.
    batch_obs = obs_b[sample_idx]
    batch_action = actions_b[sample_idx]
    batch_reward = rewards_b[sample_idx]
    batch_next_obs = next_obs_b[sample_idx]
    batch_done = dones_b[sample_idx]
    return (batch_obs, batch_action, batch_reward, batch_next_obs, batch_done)

if __name__ == "__main__":
    import jax
    _d = setup_inputs()
    print(jax.jit(kernel)(*tuple(_d.values())))

</pallas_src>

<mosaic_0001>
#map = affine_map<(d0, d1) -> (0)>
module attributes {stable_mosaic.version = 14 : i64} {
  func.func @build(%arg0: i32, %arg1: i32, %arg2: memref<16384xi32, #tpu.memory_space<hbm>>, %arg3: memref<1000448xi32, #tpu.memory_space<hbm>>, %arg4: memref<31264xi32, #tpu.memory_space<vmem>>, %arg5: memref<16384xi32, #tpu.memory_space<vmem>>) attributes {dimension_semantics = [#tpu.dimension_semantics<core_parallel>, #tpu.dimension_semantics<subcore_parallel>], iteration_bounds = array<i64: 2, 16>, scalar_prefetch = 0 : i64, scratch_operands = 2 : i64, tpu.core_type = #tpu.core_type<sc_vector_subcore>, window_params = [{transform_indices = #map}, {transform_indices = #map}]} {
    %mul3A = arith.constant 2 : i32
    %mul3A_0 = arith.muli %arg1, %mul3A : i32
    %add3A = arith.addi %mul3A_0, %arg0 : i32
    %mul3A_1 = arith.constant 31264 : i32
    %mul3A_2 = arith.muli %add3A, %mul3A_1 : i32
    %broadcast_in_dim3A = arith.constant 0 : i32
    %broadcast_in_dim3A_3 = vector.broadcast %broadcast_in_dim3A : i32 to vector<16xi32>
    %scan3A = arith.constant 0 : i32
    %scan3A_4 = arith.constant 0 : i32
    %scan3A_5 = arith.constant 977 : i32
    %scan3A_6 = arith.addi %scan3A_4, %scan3A_5 : i32
    %scan3A_7 = arith.constant 1 : i32
    scf.for %scan3A_15 = %scan3A_4 to %scan3A_6 step %scan3A_7  : i32 {
      %mul3A_16 = arith.constant 2 : i32
      %mul3A_17 = arith.muli %scan3A_15, %mul3A_16 : i32
      %mul3A_18 = arith.constant 16 : i32
      %mul3A_19 = arith.muli %mul3A_17, %mul3A_18 : i32
      %swap3A = arith.index_cast %mul3A_19 : i32 to index
      %swap3A_20 = tpu.vector_load %arg4[%swap3A] {strides = array<i32>} : memref<31264xi32, #tpu.memory_space<vmem>>, vector<16xi32>,
      tpu.vector_store %arg4[%swap3A], %broadcast_in_dim3A_3 {strides = array<i32>} : memref<31264xi32, #tpu.memory_space<vmem>>, vector<16xi32>,
      %mul3A_21 = arith.constant 2 : i32
      %mul3A_22 = arith.muli %scan3A_15, %mul3A_21 : i32
      %mul3A_23 = arith.constant 16 : i32
      %mul3A_24 = arith.muli %mul3A_22, %mul3A_23 : i32
      %add3A_25 = arith.constant 16 : i32
      %add3A_26 = arith.addi %mul3A_24, %add3A_25 : i32
      %swap3A_27 = arith.index_cast %add3A_26 : i32 to index
      %swap3A_28 = tpu.vector_load %arg4[%swap3A_27] {strides = array<i32>} : memref<31264xi32, #tpu.memory_space<vmem>>, vector<16xi32>,
      tpu.vector_store %arg4[%swap3A_27], %broadcast_in_dim3A_3 {strides = array<i32>} : memref<31264xi32, #tpu.memory_space<vmem>>, vector<16xi32>,
    }
    %scan3A_8 = arith.constant 977 : i32
    "tpu.region"() ({
      %run_scoped3A = tpu.sem_alloc : memref<!tpu.dma_semaphore, #tpu.memory_space<semaphore_mem>>
      tpu.enqueue_dma source(%arg2 : memref<16384xi32, #tpu.memory_space<hbm>>) target(%arg5 : memref<16384xi32, #tpu.memory_space<vmem>>) target_semaphore(%run_scoped3A : memref<!tpu.dma_semaphore, #tpu.memory_space<semaphore_mem>>)
      tpu.wait_dma2 semaphore(%run_scoped3A : memref<!tpu.dma_semaphore, #tpu.memory_space<semaphore_mem>>) src(%arg2 : memref<16384xi32, #tpu.memory_space<hbm>>) dst(%arg5 : memref<16384xi32, #tpu.memory_space<vmem>>)
      tpu.yield
    }) : () -> ()
    %iota3A = tpu.iota {dimensions = array<i32: 0>} : vector<16xi32>
    %scan3A_9 = arith.constant 0 : i32
    %scan3A_10 = arith.constant 0 : i32
    %scan3A_11 = arith.constant 1024 : i32
    %scan3A_12 = arith.addi %scan3A_10, %scan3A_11 : i32
    %scan3A_13 = arith.constant 1 : i32
    scf.for %scan3A_15 = %scan3A_10 to %scan3A_12 step %scan3A_13  : i32 {
      %mul3A_16 = arith.constant 16 : i32
      %mul3A_17 = arith.muli %scan3A_15, %mul3A_16 : i32
      %get3A = arith.index_cast %mul3A_17 : i32 to index
      %get3A_18 = tpu.vector_load %arg5[%get3A] {strides = array<i32>} : memref<16384xi32, #tpu.memory_space<vmem>>, vector<16xi32>,
      %sub3A = vector.broadcast %mul3A_2 : i32 to vector<16xi32>
      %sub3A_19 = arith.subi %get3A_18, %sub3A : vector<16xi32>
      %ge3A = vector.broadcast %mul3A_2 : i32 to vector<16xi32>
      %ge3A_20 = arith.cmpi sge, %get3A_18, %ge3A : vector<16xi32>
      %add3A_21 = arith.constant 31264 : i32
      %add3A_22 = arith.addi %mul3A_2, %add3A_21 : i32
      %lt3A = vector.broadcast %add3A_22 : i32 to vector<16xi32>
      %lt3A_23 = arith.cmpi slt, %get3A_18, %lt3A : vector<16xi32>
      %and3A = arith.andi %ge3A_20, %lt3A_23 : vector<16xi1>
      %mul3A_24 = arith.constant 16 : i32
      %mul3A_25 = arith.muli %scan3A_15, %mul3A_24 : i32
      %add3A_26 = arith.constant 1 : i32
      %add3A_27 = arith.addi %mul3A_25, %add3A_26 : i32
      %add3A_28 = vector.broadcast %add3A_27 : i32 to vector<16xi32>
      %add3A_29 = arith.addi %iota3A, %add3A_28 : vector<16xi32>
      %jit3A = arith.constant 1 : i32
      %jit3A_30 = arith.constant 0 : i32
      %broadcast_in_dim3A_31 = vector.broadcast %jit3A : i32 to vector<16xi32>
      %broadcast_in_dim3A_32 = vector.broadcast %jit3A_30 : i32 to vector<16xi32>
      %select_n3A = arith.select %and3A, %broadcast_in_dim3A_31, %broadcast_in_dim3A_32 : vector<16xi1>, vector<16xi32>
      %reduce_sum3A = arith.constant true
      %reduce_sum3A_33 = vector.broadcast %reduce_sum3A : i1 to vector<16xi1>
      %reduce_sum3A_34 = tpu.scan <sum>, %select_n3A masked %reduce_sum3A_33 : vector<16xi32>, vector<16xi1> -> vector<16xi32>
      %reduce_sum3A_35 = vector.extract %reduce_sum3A_34[15] : i32 from vector<16xi32>
      %while3A:2 = scf.while (%while3A_36 = %and3A, %while3A_37 = %reduce_sum3A_35) : (vector<16xi1>, i32) -> (vector<16xi1>, i32) {
        %gt3A = arith.constant 0 : i32
        %gt3A_38 = arith.cmpi sgt, %while3A_37, %gt3A : i32
        scf.condition(%gt3A_38) %while3A_36, %while3A_37 : vector<16xi1>, i32
      } do {
      ^bb0(%while3A_36: vector<16xi1>, %while3A_37: i32):
        tpu.vector_store_idx %arg4[%sub3A_19], %add3A_29 masked %while3A_36 : memref<31264xi32, #tpu.memory_space<vmem>>[vector<16xi32>], vector<16xi32>, vector<16xi1>
        %gather3A = tpu.vector_load_idx %arg4[%sub3A_19] masked %while3A_36 : memref<31264xi32, #tpu.memory_space<vmem>>[vector<16xi32>], vector<16xi32>, vector<16xi1>
        %lt3A_38 = arith.cmpi slt, %gather3A, %add3A_29 : vector<16xi32>
        %and3A_39 = arith.andi %while3A_36, %lt3A_38 : vector<16xi1>
        %jit3A_40 = arith.constant 1 : i32
        %jit3A_41 = arith.constant 0 : i32
        %broadcast_in_dim3A_42 = vector.broadcast %jit3A_40 : i32 to vector<16xi32>
        %broadcast_in_dim3A_43 = vector.broadcast %jit3A_41 : i32 to vector<16xi32>
        %select_n3A_44 = arith.select %and3A_39, %broadcast_in_dim3A_42, %broadcast_in_dim3A_43 : vector<16xi1>, vector<16xi32>
        %reduce_sum3A_45 = arith.constant true
        %reduce_sum3A_46 = vector.broadcast %reduce_sum3A_45 : i1 to vector<16xi1>
        %reduce_sum3A_47 = tpu.scan <sum>, %select_n3A_44 masked %reduce_sum3A_46 : vector<16xi32>, vector<16xi1> -> vector<16xi32>
        %reduce_sum3A_48 = vector.extract %reduce_sum3A_47[15] : i32 from vector<16xi32>
        scf.yield %and3A_39, %reduce_sum3A_48 : vector<16xi1>, i32
      }
    }
    %scan3A_14 = arith.constant 1024 : i32
    "tpu.region"() ({
      %run_scoped3A = tpu.sem_alloc : memref<!tpu.dma_semaphore, #tpu.memory_space<semaphore_mem>>
      %dma_start3A = tpu.memref_slice %arg3[%mul3A_2] : memref<1000448xi32, #tpu.memory_space<hbm>> -> memref<31264xi32, #tpu.memory_space<hbm>>
      %dma_start3A_15 = tpu.memref_slice %arg3[%mul3A_2] : memref<1000448xi32, #tpu.memory_space<hbm>> -> memref<31264xi32, #tpu.memory_space<hbm>>
      tpu.enqueue_dma source(%arg4 : memref<31264xi32, #tpu.memory_space<vmem>>) target(%dma_start3A_15 : memref<31264xi32, #tpu.memory_space<hbm>>) target_semaphore(%run_scoped3A : memref<!tpu.dma_semaphore, #tpu.memory_space<semaphore_mem>>)
      %dma_wait3A = tpu.memref_slice %arg3[%mul3A_2] : memref<1000448xi32, #tpu.memory_space<hbm>> -> memref<31264xi32, #tpu.memory_space<hbm>>
      %dma_wait3A_16 = tpu.memref_slice %arg3[%mul3A_2] : memref<1000448xi32, #tpu.memory_space<hbm>> -> memref<31264xi32, #tpu.memory_space<hbm>>
      tpu.wait_dma2 semaphore(%run_scoped3A : memref<!tpu.dma_semaphore, #tpu.memory_space<semaphore_mem>>) src(%arg4 : memref<31264xi32, #tpu.memory_space<vmem>>) dst(%dma_wait3A_16 : memref<31264xi32, #tpu.memory_space<hbm>>)
      tpu.yield
    }) : () -> ()
    return
  }
}

#map = affine_map<(d0, d1) -> (0)>
#map1 = affine_map<(d0, d1) -> (0, 0)>
module attributes {stable_mosaic.version = 14 : i64} {
  func.func @sample(%arg0: i32, %arg1: i32, %arg2: memref<1000448xi32, #tpu.memory_space<hbm>>, %arg3: memref<16384xi32, #tpu.memory_space<hbm>>, %arg4: memref<1000000x64xf32, #tpu.memory_space<hbm>>, %arg5: memref<1000000x64xf32, #tpu.memory_space<hbm>>, %arg6: memref<1000000xi32, #tpu.memory_space<hbm>>, %arg7: memref<1000000xf32, #tpu.memory_space<hbm>>, %arg8: memref<1000000xf32, #tpu.memory_space<hbm>>, %arg9: memref<16384x64xf32, #tpu.memory_space<hbm>>, %arg10: memref<16384x64xf32, #tpu.memory_space<hbm>>, %arg11: memref<16384xi32, #tpu.memory_space<hbm>>, %arg12: memref<16384xf32, #tpu.memory_space<hbm>>, %arg13: memref<16384xf32, #tpu.memory_space<hbm>>, %arg14: memref<16384x64xf32, #tpu.memory_space<hbm>>, %arg15: memref<16384xi32, #tpu.memory_space<hbm>>, %arg16: memref<16384xf32, #tpu.memory_space<hbm>>, %arg17: memref<16384x64xf32, #tpu.memory_space<hbm>>, %arg18: memref<16384xf32, #tpu.memory_space<hbm>>, %arg19: memref<4x128xi32, #tpu.memory_space<vmem>>, %arg20: memref<4x128xi32, #tpu.memory_space<vmem>>, %arg21: memref<4x128xi32, #tpu.memory_space<vmem>>, %arg22: memref<512x64xf32, #tpu.memory_space<vmem>>, %arg23: memref<512x64xf32, #tpu.memory_space<vmem>>, %arg24: memref<512xi32, #tpu.memory_space<vmem>>, %arg25: memref<512xi32, #tpu.memory_space<vmem>>, %arg26: memref<512xf32, #tpu.memory_space<vmem>>, %arg27: memref<512xf32, #tpu.memory_space<vmem>>, %arg28: memref<512xf32, #tpu.memory_space<vmem>>, %arg29: memref<512xf32, #tpu.memory_space<vmem>>, %arg30: memref<4x128xi32, #tpu.memory_space<smem>>, %arg31: memref<4x128xi32, #tpu.memory_space<smem>>, %arg32: memref<16x2x4x128xi32, #tpu.memory_space<vmem_shared>>, %arg33: memref<!tpu.dma_semaphore, #tpu.memory_space<semaphore_mem>>, %arg34: memref<!tpu.dma_semaphore, #tpu.memory_space<semaphore_mem>>) attributes {dimension_semantics = [#tpu.dimension_semantics<core_parallel>, #tpu.dimension_semantics<subcore_parallel>], iteration_bounds = array<i64: 2, 16>, scalar_prefetch = 0 : i64, scratch_operands = 16 : i64, tpu.core_type = #tpu.core_type<sc_vector_subcore>, window_params = [{transform_indices = #map}, {transform_indices = #map}, {transform_indices = #map1}, {transform_indices = #map1}, {transform_indices = #map}, {transform_indices = #map}, {transform_indices = #map}, {transform_indices = #map1}, {transform_indices = #map1}, {transform_indices = #map}, {transform_indices = #map}, {transform_indices = #map}, {transform_indices = #map1}, {transform_indices = #map}, {transform_indices = #map}, {transform_indices = #map1}, {transform_indices = #map}]} {
    %mul3A = arith.constant 2 : i32
    %mul3A_0 = arith.muli %arg1, %mul3A : i32
    %add3A = arith.addi %mul3A_0, %arg0 : i32
    %mul3A_1 = arith.constant 512 : i32
    %mul3A_2 = arith.muli %add3A, %mul3A_1 : i32
    %add3A_3 = arith.constant 0 : i32
    %add3A_4 = arith.addi %mul3A_2, %add3A_3 : i32
    %run_scoped3A = arith.constant 0 : i32
    "tpu.region"() ({
      %run_scoped3A_509 = tpu.sem_alloc : memref<!tpu.dma_semaphore, #tpu.memory_space<semaphore_mem>>
      %dma_start3A_510 = arith.constant 0 : i32
      %dma_start3A_511 = tpu.memref_slice %arg19[%run_scoped3A, %dma_start3A_510] : memref<4x128xi32, #tpu.memory_space<vmem>> -> memref<1x128xi32, #tpu.memory_space<vmem>>
      %dma_start3A_512 = tpu.memref_squeeze %dma_start3A_511 : memref<1x128xi32, #tpu.memory_space<vmem>> -> memref<128xi32, #tpu.memory_space<vmem>>
      %dma_start3A_513 = tpu.memref_slice %arg3[%add3A_4] : memref<16384xi32, #tpu.memory_space<hbm>> -> memref<128xi32, #tpu.memory_space<hbm>>
      %dma_start3A_514 = arith.constant 0 : i32
      %dma_start3A_515 = tpu.memref_slice %arg19[%run_scoped3A, %dma_start3A_514] : memref<4x128xi32, #tpu.memory_space<vmem>> -> memref<1x128xi32, #tpu.memory_space<vmem>>
      %dma_start3A_516 = tpu.memref_squeeze %dma_start3A_515 : memref<1x128xi32, #tpu.memory_space<vmem>> -> memref<128xi32, #tpu.memory_space<vmem>>
      %dma_start3A_517 = tpu.memref_slice %arg3[%add3A_4] : memref<16384xi32, #tpu.memory_space<hbm>> -> memref<128xi32, #tpu.memory_space<hbm>>
      tpu.enqueue_dma source(%dma_start3A_517 : memref<128xi32, #tpu.memory_space<hbm>>) target(%dma_start3A_516 : memref<128xi32, #tpu.memory_space<vmem>>) target_semaphore(%run_scoped3A_509 : memref<!tpu.dma_semaphore, #tpu.memory_space<semaphore_mem>>)
      %dma_wait3A_518 = arith.constant 0 : i32
      %dma_wait3A_519 = tpu.memref_slice %arg19[%run_scoped3A, %dma_wait3A_518] : memref<4x128xi32, #tpu.memory_space<vmem>> -> memref<1x128xi32, #tpu.memory_space<vmem>>
      %dma_wait3A_520 = tpu.memref_squeeze %dma_wait3A_519 : memref<1x128xi32, #tpu.memory_space<vmem>> -> memref<128xi32, #tpu.memory_space<vmem>>
      %dma_wait3A_521 = tpu.memref_slice %arg3[%add3A_4] : memref<16384xi32, #tpu.memory_space<hbm>> -> memref<128xi32, #tpu.memory_space<hbm>>
      %dma_wait3A_522 = arith.constant 0 : i32
      %dma_wait3A_523 = tpu.memref_slice %arg19[%run_scoped3A, %dma_wait3A_522] : memref<4x128xi32, #tpu.memory_space<vmem>> -> memref<1x128xi32, #tpu.memory_space<vmem>>
      %dma_wait3A_524 = tpu.memref_squeeze %dma_wait3A_523 : memref<1x128xi32, #tpu.memory_space<vmem>> -> memref<128xi32, #tpu.memory_space<vmem>>
      %dma_wait3A_525 = tpu.memref_slice %arg3[%add3A_4] : memref<16384xi32, #tpu.memory_space<hbm>> -> memref<128xi32, #tpu.memory_space<hbm>>
      tpu.wait_dma2 semaphore(%run_scoped3A_509 : memref<!tpu.dma_semaphore, #tpu.memory_space<semaphore_mem>>) src(%dma_wait3A_525 : memref<128xi32, #tpu.memory_space<hbm>>) dst(%dma_wait3A_524 : memref<128xi32, #tpu.memory_space<vmem>>)
      tpu.yield
    }) : () -> ()
    %add3A_5 = arith.constant 128 : i32
    %add3A_6 = arith.addi %mul3A_2, %add3A_5 : i32
    %run_scoped3A_7 = arith.constant 1 : i32
    "tpu.region"() ({
      %run_scoped3A_509 = tpu.sem_alloc : memref<!tpu.dma_semaphore, #tpu.memory_space<semaphore_mem>>
      %dma_start3A_510 = arith.constant 0 : i32
      %dma_start3A_511 = tpu.memref_slice %arg19[%run_scoped3A_7, %dma_start3A_510] : memref<4x128xi32, #tpu.memory_space<vmem>> -> memref<1x128xi32, #tpu.memory_space<vmem>>
      %dma_start3A_512 = tpu.memref_squeeze %dma_start3A_511 : memref<1x128xi32, #tpu.memory_space<vmem>> -> memref<128xi32, #tpu.memory_space<vmem>>
      %dma_start3A_513 = tpu.memref_slice %arg3[%add3A_6] : memref<16384xi32, #tpu.memory_space<hbm>> -> memref<128xi32, #tpu.memory_space<hbm>>
      %dma_start3A_514 = arith.constant 0 : i32
      %dma_start3A_515 = tpu.memref_slice %arg19[%run_scoped3A_7, %dma_start3A_514] : memref<4x128xi32, #tpu.memory_space<vmem>> -> memref<1x128xi32, #tpu.memory_space<vmem>>
      %dma_start3A_516 = tpu.memref_squeeze %dma_start3A_515 : memref<1x128xi32, #tpu.memory_space<vmem>> -> memref<128xi32, #tpu.memory_space<vmem>>
      %dma_start3A_517 = tpu.memref_slice %arg3[%add3A_6] : memref<16384xi32, #tpu.memory_space<hbm>> -> memref<128xi32, #tpu.memory_space<hbm>>
      tpu.enqueue_dma source(%dma_start3A_517 : memref<128xi32, #tpu.memory_space<hbm>>) target(%dma_start3A_516 : memref<128xi32, #tpu.memory_space<vmem>>) target_semaphore(%run_scoped3A_509 : memref<!tpu.dma_semaphore, #tpu.memory_space<semaphore_mem>>)
      %dma_wait3A_518 = arith.constant 0 : i32
      %dma_wait3A_519 = tpu.memref_slice %arg19[%run_scoped3A_7, %dma_wait3A_518] : memref<4x128xi32, #tpu.memory_space<vmem>> -> memref<1x128xi32, #tpu.memory_space<vmem>>
      %dma_wait3A_520 = tpu.memref_squeeze %dma_wait3A_519 : memref<1x128xi32, #tpu.memory_space<vmem>> -> memref<128xi32, #tpu.memory_space<vmem>>
      %dma_wait3A_521 = tpu.memref_slice %arg3[%add3A_6] : memref<16384xi32, #tpu.memory_space<hbm>> -> memref<128xi32, #tpu.memory_space<hbm>>
      %dma_wait3A_522 = arith.constant 0 : i32
      %dma_wait3A_523 = tpu.memref_slice %arg19[%run_scoped3A_7, %dma_wait3A_522] : memref<4x128xi32, #tpu.memory_space<vmem>> -> memref<1x128xi32, #tpu.memory_space<vmem>>
      %dma_wait3A_524 = tpu.memref_squeeze %dma_wait3A_523 : memref<1x128xi32, #tpu.memory_space<vmem>> -> memref<128xi32, #tpu.memory_space<vmem>>
      %dma_wait3A_525 = tpu.memref_slice %arg3[%add3A_6] : memref<16384xi32, #tpu.memory_space<hbm>> -> memref<128xi32, #tpu.memory_space<hbm>>
      tpu.wait_dma2 semaphore(%run_scoped3A_509 : memref<!tpu.dma_semaphore, #tpu.memory_space<semaphore_mem>>) src(%dma_wait3A_525 : memref<128xi32, #tpu.memory_space<hbm>>) dst(%dma_wait3A_524 : memref<128xi32, #tpu.memory_space<vmem>>)
      tpu.yield
    }) : () -> ()
    %add3A_8 = arith.constant 256 : i32
    %add3A_9 = arith.addi %mul3A_2, %add3A_8 : i32
    %run_scoped3A_10 = arith.constant 2 : i32
    "tpu.region"() ({
      %run_scoped3A_509 = tpu.sem_alloc : memref<!tpu.dma_semaphore, #tpu.memory_space<semaphore_mem>>
      %dma_start3A_510 = arith.constant 0 : i32
      %dma_start3A_511 = tpu.memref_slice %arg19[%run_scoped3A_10, %dma_start3A_510] : memref<4x128xi32, #tpu.memory_space<vmem>> -> memref<1x128xi32, #tpu.memory_space<vmem>>
      %dma_start3A_512 = tpu.memref_squeeze %dma_start3A_511 : memref<1x128xi32, #tpu.memory_space<vmem>> -> memref<128xi32, #tpu.memory_space<vmem>>
      %dma_start3A_513 = tpu.memref_slice %arg3[%add3A_9] : memref<16384xi32, #tpu.memory_space<hbm>> -> memref<128xi32, #tpu.memory_space<hbm>>
      %dma_start3A_514 = arith.constant 0 : i32
      %dma_start3A_515 = tpu.memref_slice %arg19[%run_scoped3A_10, %dma_start3A_514] : memref<4x128xi32, #tpu.memory_space<vmem>> -> memref<1x128xi32, #tpu.memory_space<vmem>>
      %dma_start3A_516 = tpu.memref_squeeze %dma_start3A_515 : memref<1x128xi32, #tpu.memory_space<vmem>> -> memref<128xi32, #tpu.memory_space<vmem>>
      %dma_start3A_517 = tpu.memref_slice %arg3[%add3A_9] : memref<16384xi32, #tpu.memory_space<hbm>> -> memref<128xi32, #tpu.memory_space<hbm>>
      tpu.enqueue_dma source(%dma_start3A_517 : memref<128xi32, #tpu.memory_space<hbm>>) target(%dma_start3A_516 : memref<128xi32, #tpu.memory_space<vmem>>) target_semaphore(%run_scoped3A_509 : memref<!tpu.dma_semaphore, #tpu.memory_space<semaphore_mem>>)
      %dma_wait3A_518 = arith.constant 0 : i32
      %dma_wait3A_519 = tpu.memref_slice %arg19[%run_scoped3A_10, %dma_wait3A_518] : memref<4x128xi32, #tpu.memory_space<vmem>> -> memref<1x128xi32, #tpu.memory_space<vmem>>
      %dma_wait3A_520 = tpu.memref_squeeze %dma_wait3A_519 : memref<1x128xi32, #tpu.memory_space<vmem>> -> memref<128xi32, #tpu.memory_space<vmem>>
      %dma_wait3A_521 = tpu.memref_slice %arg3[%add3A_9] : memref<16384xi32, #tpu.memory_space<hbm>> -> memref<128xi32, #tpu.memory_space<hbm>>
      %dma_wait3A_522 = arith.constant 0 : i32
      %dma_wait3A_523 = tpu.memref_slice %arg19[%run_scoped3A_10, %dma_wait3A_522] : memref<4x128xi32, #tpu.memory_space<vmem>> -> memref<1x128xi32, #tpu.memory_space<vmem>>
      %dma_wait3A_524 = tpu.memref_squeeze %dma_wait3A_523 : memref<1x128xi32, #tpu.memory_space<vmem>> -> memref<128xi32, #tpu.memory_space<vmem>>
      %dma_wait3A_525 = tpu.memref_slice %arg3[%add3A_9] : memref<16384xi32, #tpu.memory_space<hbm>> -> memref<128xi32, #tpu.memory_space<hbm>>
      tpu.wait_dma2 semaphore(%run_scoped3A_509 : memref<!tpu.dma_semaphore, #tpu.memory_space<semaphore_mem>>) src(%dma_wait3A_525 : memref<128xi32, #tpu.memory_space<hbm>>) dst(%dma_wait3A_524 : memref<128xi32, #tpu.memory_space<vmem>>)
      tpu.yield
    }) : () -> ()
    %add3A_11 = arith.constant 384 : i32
    %add3A_12 = arith.addi %mul3A_2, %add3A_11 : i32
    %run_scoped3A_13 = arith.constant 3 : i32
    "tpu.region"() ({
      %run_scoped3A_509 = tpu.sem_alloc : memref<!tpu.dma_semaphore, #tpu.memory_space<semaphore_mem>>
      %dma_start3A_510 = arith.constant 0 : i32
      %dma_start3A_511 = tpu.memref_slice %arg19[%run_scoped3A_13, %dma_start3A_510] : memref<4x128xi32, #tpu.memory_space<vmem>> -> memref<1x128xi32, #tpu.memory_space<vmem>>
      %dma_start3A_512 = tpu.memref_squeeze %dma_start3A_511 : memref<1x128xi32, #tpu.memory_space<vmem>> -> memref<128xi32, #tpu.memory_space<vmem>>
      %dma_start3A_513 = tpu.memref_slice %arg3[%add3A_12] : memref<16384xi32, #tpu.memory_space<hbm>> -> memref<128xi32, #tpu.memory_space<hbm>>
      %dma_start3A_514 = arith.constant 0 : i32
      %dma_start3A_515 = tpu.memref_slice %arg19[%run_scoped3A_13, %dma_start3A_514] : memref<4x128xi32, #tpu.memory_space<vmem>> -> memref<1x128xi32, #tpu.memory_space<vmem>>
      %dma_start3A_516 = tpu.memref_squeeze %dma_start3A_515 : memref<1x128xi32, #tpu.memory_space<vmem>> -> memref<128xi32, #tpu.memory_space<vmem>>
      %dma_start3A_517 = tpu.memref_slice %arg3[%add3A_12] : memref<16384xi32, #tpu.memory_space<hbm>> -> memref<128xi32, #tpu.memory_space<hbm>>
      tpu.enqueue_dma source(%dma_start3A_517 : memref<128xi32, #tpu.memory_space<hbm>>) target(%dma_start3A_516 : memref<128xi32, #tpu.memory_space<vmem>>) target_semaphore(%run_scoped3A_509 : memref<!tpu.dma_semaphore, #tpu.memory_space<semaphore_mem>>)
      %dma_wait3A_518 = arith.constant 0 : i32
      %dma_wait3A_519 = tpu.memref_slice %arg19[%run_scoped3A_13, %dma_wait3A_518] : memref<4x128xi32, #tpu.memory_space<vmem>> -> memref<1x128xi32, #tpu.memory_space<vmem>>
      %dma_wait3A_520 = tpu.memref_squeeze %dma_wait3A_519 : memref<1x128xi32, #tpu.memory_space<vmem>> -> memref<128xi32, #tpu.memory_space<vmem>>
      %dma_wait3A_521 = tpu.memref_slice %arg3[%add3A_12] : memref<16384xi32, #tpu.memory_space<hbm>> -> memref<128xi32, #tpu.memory_space<hbm>>
      %dma_wait3A_522 = arith.constant 0 : i32
      %dma_wait3A_523 = tpu.memref_slice %arg19[%run_scoped3A_13, %dma_wait3A_522] : memref<4x128xi32, #tpu.memory_space<vmem>> -> memref<1x128xi32, #tpu.memory_space<vmem>>
      %dma_wait3A_524 = tpu.memref_squeeze %dma_wait3A_523 : memref<1x128xi32, #tpu.memory_space<vmem>> -> memref<128xi32, #tpu.memory_space<vmem>>
      %dma_wait3A_525 = tpu.memref_slice %arg3[%add3A_12] : memref<16384xi32, #tpu.memory_space<hbm>> -> memref<128xi32, #tpu.memory_space<hbm>>
      tpu.wait_dma2 semaphore(%run_scoped3A_509 : memref<!tpu.dma_semaphore, #tpu.memory_space<semaphore_mem>>) src(%dma_wait3A_525 : memref<128xi32, #tpu.memory_space<hbm>>) dst(%dma_wait3A_524 : memref<128xi32, #tpu.memory_space<vmem>>)
      tpu.yield
    }) : () -> ()
    %dma_start3A = arith.constant 0 : i32
    %dma_start3A_14 = arith.constant 0 : i32
    %dma_start3A_15 = arith.constant 0 : i32
    %dma_start3A_16 = tpu.memref_slice %arg20[%dma_start3A_14, %dma_start3A_15] : memref<4x128xi32, #tpu.memory_space<vmem>> -> memref<1x128xi32, #tpu.memory_space<vmem>>
    %dma_start3A_17 = tpu.memref_squeeze %dma_start3A_16 : memref<1x128xi32, #tpu.memory_space<vmem>> -> memref<128xi32, #tpu.memory_space<vmem>>
    %dma_start3A_18 = arith.constant 0 : i32
    %dma_start3A_19 = tpu.memref_slice %arg19[%dma_start3A, %dma_start3A_18] : memref<4x128xi32, #tpu.memory_space<vmem>> -> memref<1x128xi32, #tpu.memory_space<vmem>>
    %dma_start3A_20 = tpu.memref_squeeze %dma_start3A_19 : memref<1x128xi32, #tpu.memory_space<vmem>> -> memref<128xi32, #tpu.memory_space<vmem>>
    %dma_start3A_21 = arith.constant 0 : i32
    %dma_start3A_22 = tpu.memref_slice %arg2[%dma_start3A_21] : memref<1000448xi32, #tpu.memory_space<hbm>> -> memref<1000448xi32, #tpu.memory_space<hbm>>
    tpu.enqueue_indirect_dma source(%dma_start3A_22 : memref<1000448xi32, #tpu.memory_space<hbm>>) target(%dma_start3A_17 : memref<128xi32, #tpu.memory_space<vmem>>) offsets(%dma_start3A_20 : memref<128xi32, #tpu.memory_space<vmem>>) semaphore(%arg33 : memref<!tpu.dma_semaphore, #tpu.memory_space<semaphore_mem>>)
    %dma_start3A_23 = arith.constant 1 : i32
    %dma_start3A_24 = arith.constant 1 : i32
    %dma_start3A_25 = arith.constant 0 : i32
    %dma_start3A_26 = tpu.memref_slice %arg20[%dma_start3A_24, %dma_start3A_25] : memref<4x128xi32, #tpu.memory_space<vmem>> -> memref<1x128xi32, #tpu.memory_space<vmem>>
    %dma_start3A_27 = tpu.memref_squeeze %dma_start3A_26 : memref<1x128xi32, #tpu.memory_space<vmem>> -> memref<128xi32, #tpu.memory_space<vmem>>
    %dma_start3A_28 = arith.constant 0 : i32
    %dma_start3A_29 = tpu.memref_slice %arg19[%dma_start3A_23, %dma_start3A_28] : memref<4x128xi32, #tpu.memory_space<vmem>> -> memref<1x128xi32, #tpu.memory_space<vmem>>
    %dma_start3A_30 = tpu.memref_squeeze %dma_start3A_29 : memref<1x128xi32, #tpu.memory_space<vmem>> -> memref<128xi32, #tpu.memory_space<vmem>>
    %dma_start3A_31 = arith.constant 0 : i32
    %dma_start3A_32 = tpu.memref_slice %arg2[%dma_start3A_31] : memref<1000448xi32, #tpu.memory_space<hbm>> -> memref<1000448xi32, #tpu.memory_space<hbm>>
    tpu.enqueue_indirect_dma source(%dma_start3A_32 : memref<1000448xi32, #tpu.memory_space<hbm>>) target(%dma_start3A_27 : memref<128xi32, #tpu.memory_space<vmem>>) offsets(%dma_start3A_30 : memref<128xi32, #tpu.memory_space<vmem>>) semaphore(%arg33 : memref<!tpu.dma_semaphore, #tpu.memory_space<semaphore_mem>>)
    %dma_start3A_33 = arith.constant 2 : i32
    %dma_start3A_34 = arith.constant 2 : i32
    %dma_start3A_35 = arith.constant 0 : i32
    %dma_start3A_36 = tpu.memref_slice %arg20[%dma_start3A_34, %dma_start3A_35] : memref<4x128xi32, #tpu.memory_space<vmem>> -> memref<1x128xi32, #tpu.memory_space<vmem>>
    %dma_start3A_37 = tpu.memref_squeeze %dma_start3A_36 : memref<1x128xi32, #tpu.memory_space<vmem>> -> memref<128xi32, #tpu.memory_space<vmem>>
    %dma_start3A_38 = arith.constant 0 : i32
    %dma_start3A_39 = tpu.memref_slice %arg19[%dma_start3A_33, %dma_start3A_38] : memref<4x128xi32, #tpu.memory_space<vmem>> -> memref<1x128xi32, #tpu.memory_space<vmem>>
    %dma_start3A_40 = tpu.memref_squeeze %dma_start3A_39 : memref<1x128xi32, #tpu.memory_space<vmem>> -> memref<128xi32, #tpu.memory_space<vmem>>
    %dma_start3A_41 = arith.constant 0 : i32
    %dma_start3A_42 = tpu.memref_slice %arg2[%dma_start3A_41] : memref<1000448xi32, #tpu.memory_space<hbm>> -> memref<1000448xi32, #tpu.memory_space<hbm>>
    tpu.enqueue_indirect_dma source(%dma_start3A_42 : memref<1000448xi32, #tpu.memory_space<hbm>>) target(%dma_start3A_37 : memref<128xi32, #tpu.memory_space<vmem>>) offsets(%dma_start3A_40 : memref<128xi32, #tpu.memory_space<vmem>>) semaphore(%arg33 : memref<!tpu.dma_semaphore, #tpu.memory_space<semaphore_mem>>)
    %dma_start3A_43 = arith.constant 3 : i32
    %dma_start3A_44 = arith.constant 3 : i32
    %dma_start3A_45 = arith.constant 0 : i32
    %dma_start3A_46 = tpu.memref_slice %arg20[%dma_start3A_44, %dma_start3A_45] : memref<4x128xi32, #tpu.memory_space<vmem>> -> memref<1x128xi32, #tpu.memory_space<vmem>>
    %dma_start3A_47 = tpu.memref_squeeze %dma_start3A_46 : memref<1x128xi32, #tpu.memory_space<vmem>> -> memref<128xi32, #tpu.memory_space<vmem>>
    %dma_start3A_48 = arith.constant 0 : i32
    %dma_start3A_49 = tpu.memref_slice %arg19[%dma_start3A_43, %dma_start3A_48] : memref<4x128xi32, #tpu.memory_space<vmem>> -> memref<1x128xi32, #tpu.memory_space<vmem>>
    %dma_start3A_50 = tpu.memref_squeeze %dma_start3A_49 : memref<1x128xi32, #tpu.memory_space<vmem>> -> memref<128xi32, #tpu.memory_space<vmem>>
    %dma_start3A_51 = arith.constant 0 : i32
    %dma_start3A_52 = tpu.memref_slice %arg2[%dma_start3A_51] : memref<1000448xi32, #tpu.memory_space<hbm>> -> memref<1000448xi32, #tpu.memory_space<hbm>>
    tpu.enqueue_indirect_dma source(%dma_start3A_52 : memref<1000448xi32, #tpu.memory_space<hbm>>) target(%dma_start3A_47 : memref<128xi32, #tpu.memory_space<vmem>>) offsets(%dma_start3A_50 : memref<128xi32, #tpu.memory_space<vmem>>) semaphore(%arg33 : memref<!tpu.dma_semaphore, #tpu.memory_space<semaphore_mem>>)
    %dma_wait3A = arith.constant 0 : i32
    %dma_wait3A_53 = arith.constant 0 : i32
    %dma_wait3A_54 = arith.constant 0 : i32
    %dma_wait3A_55 = tpu.memref_slice %arg20[%dma_wait3A_53, %dma_wait3A_54] : memref<4x128xi32, #tpu.memory_space<vmem>> -> memref<1x128xi32, #tpu.memory_space<vmem>>
    %dma_wait3A_56 = tpu.memref_squeeze %dma_wait3A_55 : memref<1x128xi32, #tpu.memory_space<vmem>> -> memref<128xi32, #tpu.memory_space<vmem>>
    %dma_wait3A_57 = arith.constant 0 : i32
    %dma_wait3A_58 = tpu.memref_slice %arg19[%dma_wait3A, %dma_wait3A_57] : memref<4x128xi32, #tpu.memory_space<vmem>> -> memref<1x128xi32, #tpu.memory_space<vmem>>
    %dma_wait3A_59 = tpu.memref_squeeze %dma_wait3A_58 : memref<1x128xi32, #tpu.memory_space<vmem>> -> memref<128xi32, #tpu.memory_space<vmem>>
    %dma_wait3A_60 = arith.constant 0 : i32
    %dma_wait3A_61 = tpu.memref_slice %arg2[%dma_wait3A_60] : memref<1000448xi32, #tpu.memory_space<hbm>> -> memref<1000448xi32, #tpu.memory_space<hbm>>
    tpu.wait_indirect_dma semaphore(%arg33 : memref<!tpu.dma_semaphore, #tpu.memory_space<semaphore_mem>>) src(%dma_wait3A_61 : memref<1000448xi32, #tpu.memory_space<hbm>>) dst(%dma_wait3A_56 : memref<128xi32, #tpu.memory_space<vmem>>)
    %dma_wait3A_62 = arith.constant 1 : i32
    %dma_wait3A_63 = arith.constant 1 : i32
    %dma_wait3A_64 = arith.constant 0 : i32
    %dma_wait3A_65 = tpu.memref_slice %arg20[%dma_wait3A_63, %dma_wait3A_64] : memref<4x128xi32, #tpu.memory_space<vmem>> -> memref<1x128xi32, #tpu.memory_space<vmem>>
    %dma_wait3A_66 = tpu.memref_squeeze %dma_wait3A_65 : memref<1x128xi32, #tpu.memory_space<vmem>> -> memref<128xi32, #tpu.memory_space<vmem>>
    %dma_wait3A_67 = arith.constant 0 : i32
    %dma_wait3A_68 = tpu.memref_slice %arg19[%dma_wait3A_62, %dma_wait3A_67] : memref<4x128xi32, #tpu.memory_space<vmem>> -> memref<1x128xi32, #tpu.memory_space<vmem>>
    %dma_wait3A_69 = tpu.memref_squeeze %dma_wait3A_68 : memref<1x128xi32, #tpu.memory_space<vmem>> -> memref<128xi32, #tpu.memory_space<vmem>>
    %dma_wait3A_70 = arith.constant 0 : i32
    %dma_wait3A_71 = tpu.memref_slice %arg2[%dma_wait3A_70] : memref<1000448xi32, #tpu.memory_space<hbm>> -> memref<1000448xi32, #tpu.memory_space<hbm>>
    tpu.wait_indirect_dma semaphore(%arg33 : memref<!tpu.dma_semaphore, #tpu.memory_space<semaphore_mem>>) src(%dma_wait3A_71 : memref<1000448xi32, #tpu.memory_space<hbm>>) dst(%dma_wait3A_66 : memref<128xi32, #tpu.memory_space<vmem>>)
    %dma_wait3A_72 = arith.constant 2 : i32
    %dma_wait3A_73 = arith.constant 2 : i32
    %dma_wait3A_74 = arith.constant 0 : i32
    %dma_wait3A_75 = tpu.memref_slice %arg20[%dma_wait3A_73, %dma_wait3A_74] : memref<4x128xi32, #tpu.memory_space<vmem>> -> memref<1x128xi32, #tpu.memory_space<vmem>>
    %dma_wait3A_76 = tpu.memref_squeeze %dma_wait3A_75 : memref<1x128xi32, #tpu.memory_space<vmem>> -> memref<128xi32, #tpu.memory_space<vmem>>
    %dma_wait3A_77 = arith.constant 0 : i32
    %dma_wait3A_78 = tpu.memref_slice %arg19[%dma_wait3A_72, %dma_wait3A_77] : memref<4x128xi32, #tpu.memory_space<vmem>> -> memref<1x128xi32, #tpu.memory_space<vmem>>
    %dma_wait3A_79 = tpu.memref_squeeze %dma_wait3A_78 : memref<1x128xi32, #tpu.memory_space<vmem>> -> memref<128xi32, #tpu.memory_space<vmem>>
    %dma_wait3A_80 = arith.constant 0 : i32
    %dma_wait3A_81 = tpu.memref_slice %arg2[%dma_wait3A_80] : memref<1000448xi32, #tpu.memory_space<hbm>> -> memref<1000448xi32, #tpu.memory_space<hbm>>
    tpu.wait_indirect_dma semaphore(%arg33 : memref<!tpu.dma_semaphore, #tpu.memory_space<semaphore_mem>>) src(%dma_wait3A_81 : memref<1000448xi32, #tpu.memory_space<hbm>>) dst(%dma_wait3A_76 : memref<128xi32, #tpu.memory_space<vmem>>)
    %dma_wait3A_82 = arith.constant 3 : i32
    %dma_wait3A_83 = arith.constant 3 : i32
    %dma_wait3A_84 = arith.constant 0 : i32
    %dma_wait3A_85 = tpu.memref_slice %arg20[%dma_wait3A_83, %dma_wait3A_84] : memref<4x128xi32, #tpu.memory_space<vmem>> -> memref<1x128xi32, #tpu.memory_space<vmem>>
    %dma_wait3A_86 = tpu.memref_squeeze %dma_wait3A_85 : memref<1x128xi32, #tpu.memory_space<vmem>> -> memref<128xi32, #tpu.memory_space<vmem>>
    %dma_wait3A_87 = arith.constant 0 : i32
    %dma_wait3A_88 = tpu.memref_slice %arg19[%dma_wait3A_82, %dma_wait3A_87] : memref<4x128xi32, #tpu.memory_space<vmem>> -> memref<1x128xi32, #tpu.memory_space<vmem>>
    %dma_wait3A_89 = tpu.memref_squeeze %dma_wait3A_88 : memref<1x128xi32, #tpu.memory_space<vmem>> -> memref<128xi32, #tpu.memory_space<vmem>>
    %dma_wait3A_90 = arith.constant 0 : i32
    %dma_wait3A_91 = tpu.memref_slice %arg2[%dma_wait3A_90] : memref<1000448xi32, #tpu.memory_space<hbm>> -> memref<1000448xi32, #tpu.memory_space<hbm>>
    tpu.wait_indirect_dma semaphore(%arg33 : memref<!tpu.dma_semaphore, #tpu.memory_space<semaphore_mem>>) src(%dma_wait3A_91 : memref<1000448xi32, #tpu.memory_space<hbm>>) dst(%dma_wait3A_86 : memref<128xi32, #tpu.memory_space<vmem>>)
    %run_scoped3A_92 = arith.constant 0 : i32
    "tpu.region"() ({
      %run_scoped3A_509 = tpu.sem_alloc : memref<!tpu.dma_semaphore, #tpu.memory_space<semaphore_mem>>
      %dma_start3A_510 = arith.constant 0 : i32
      %dma_start3A_511 = arith.constant 0 : i32
      %dma_start3A_512 = tpu.memref_slice %arg32[%arg1, %run_scoped3A_92, %dma_start3A_510, %dma_start3A_511] : memref<16x2x4x128xi32, #tpu.memory_space<vmem_shared>> -> memref<1x1x4x128xi32, #tpu.memory_space<vmem_shared>>
      %dma_start3A_513 = tpu.memref_squeeze %dma_start3A_512 : memref<1x1x4x128xi32, #tpu.memory_space<vmem_shared>> -> memref<4x128xi32, #tpu.memory_space<vmem_shared>>
      %dma_start3A_514 = arith.constant 0 : i32
      %dma_start3A_515 = arith.constant 0 : i32
      %dma_start3A_516 = tpu.memref_slice %arg32[%arg1, %run_scoped3A_92, %dma_start3A_514, %dma_start3A_515] : memref<16x2x4x128xi32, #tpu.memory_space<vmem_shared>> -> memref<1x1x4x128xi32, #tpu.memory_space<vmem_shared>>
      %dma_start3A_517 = tpu.memref_squeeze %dma_start3A_516 : memref<1x1x4x128xi32, #tpu.memory_space<vmem_shared>> -> memref<4x128xi32, #tpu.memory_space<vmem_shared>>
      tpu.enqueue_dma source(%arg19 : memref<4x128xi32, #tpu.memory_space<vmem>>) target(%dma_start3A_517 : memref<4x128xi32, #tpu.memory_space<vmem_shared>>) target_semaphore(%run_scoped3A_509 : memref<!tpu.dma_semaphore, #tpu.memory_space<semaphore_mem>>)
      %dma_wait3A_518 = arith.constant 0 : i32
      %dma_wait3A_519 = arith.constant 0 : i32
      %dma_wait3A_520 = tpu.memref_slice %arg32[%arg1, %run_scoped3A_92, %dma_wait3A_518, %dma_wait3A_519] : memref<16x2x4x128xi32, #tpu.memory_space<vmem_shared>> -> memref<1x1x4x128xi32, #tpu.memory_space<vmem_shared>>
      %dma_wait3A_521 = tpu.memref_squeeze %dma_wait3A_520 : memref<1x1x4x128xi32, #tpu.memory_space<vmem_shared>> -> memref<4x128xi32, #tpu.memory_space<vmem_shared>>
      %dma_wait3A_522 = arith.constant 0 : i32
      %dma_wait3A_523 = arith.constant 0 : i32
      %dma_wait3A_524 = tpu.memref_slice %arg32[%arg1, %run_scoped3A_92, %dma_wait3A_522, %dma_wait3A_523] : memref<16x2x4x128xi32, #tpu.memory_space<vmem_shared>> -> memref<1x1x4x128xi32, #tpu.memory_space<vmem_shared>>
      %dma_wait3A_525 = tpu.memref_squeeze %dma_wait3A_524 : memref<1x1x4x128xi32, #tpu.memory_space<vmem_shared>> -> memref<4x128xi32, #tpu.memory_space<vmem_shared>>
      tpu.wait_dma2 semaphore(%run_scoped3A_509 : memref<!tpu.dma_semaphore, #tpu.memory_space<semaphore_mem>>) src(%arg19 : memref<4x128xi32, #tpu.memory_space<vmem>>) dst(%dma_wait3A_525 : memref<4x128xi32, #tpu.memory_space<vmem_shared>>)
      tpu.yield
    }) : () -> ()
    %run_scoped3A_93 = arith.constant 1 : i32
    "tpu.region"() ({
      %run_scoped3A_509 = tpu.sem_alloc : memref<!tpu.dma_semaphore, #tpu.memory_space<semaphore_mem>>
      %dma_start3A_510 = arith.constant 0 : i32
      %dma_start3A_511 = arith.constant 0 : i32
      %dma_start3A_512 = tpu.memref_slice %arg32[%arg1, %run_scoped3A_93, %dma_start3A_510, %dma_start3A_511] : memref<16x2x4x128xi32, #tpu.memory_space<vmem_shared>> -> memref<1x1x4x128xi32, #tpu.memory_space<vmem_shared>>
      %dma_start3A_513 = tpu.memref_squeeze %dma_start3A_512 : memref<1x1x4x128xi32, #tpu.memory_space<vmem_shared>> -> memref<4x128xi32, #tpu.memory_space<vmem_shared>>
      %dma_start3A_514 = arith.constant 0 : i32
      %dma_start3A_515 = arith.constant 0 : i32
      %dma_start3A_516 = tpu.memref_slice %arg32[%arg1, %run_scoped3A_93, %dma_start3A_514, %dma_start3A_515] : memref<16x2x4x128xi32, #tpu.memory_space<vmem_shared>> -> memref<1x1x4x128xi32, #tpu.memory_space<vmem_shared>>
      %dma_start3A_517 = tpu.memref_squeeze %dma_start3A_516 : memref<1x1x4x128xi32, #tpu.memory_space<vmem_shared>> -> memref<4x128xi32, #tpu.memory_space<vmem_shared>>
      tpu.enqueue_dma source(%arg20 : memref<4x128xi32, #tpu.memory_space<vmem>>) target(%dma_start3A_517 : memref<4x128xi32, #tpu.memory_space<vmem_shared>>) target_semaphore(%run_scoped3A_509 : memref<!tpu.dma_semaphore, #tpu.memory_space<semaphore_mem>>)
      %dma_wait3A_518 = arith.constant 0 : i32
      %dma_wait3A_519 = arith.constant 0 : i32
      %dma_wait3A_520 = tpu.memref_slice %arg32[%arg1, %run_scoped3A_93, %dma_wait3A_518, %dma_wait3A_519] : memref<16x2x4x128xi32, #tpu.memory_space<vmem_shared>> -> memref<1x1x4x128xi32, #tpu.memory_space<vmem_shared>>
      %dma_wait3A_521 = tpu.memref_squeeze %dma_wait3A_520 : memref<1x1x4x128xi32, #tpu.memory_space<vmem_shared>> -> memref<4x128xi32, #tpu.memory_space<vmem_shared>>
      %dma_wait3A_522 = arith.constant 0 : i32
      %dma_wait3A_523 = arith.constant 0 : i32
      %dma_wait3A_524 = tpu.memref_slice %arg32[%arg1, %run_scoped3A_93, %dma_wait3A_522, %dma_wait3A_523] : memref<16x2x4x128xi32, #tpu.memory_space<vmem_shared>> -> memref<1x1x4x128xi32, #tpu.memory_space<vmem_shared>>
      %dma_wait3A_525 = tpu.memref_squeeze %dma_wait3A_524 : memref<1x1x4x128xi32, #tpu.memory_space<vmem_shared>> -> memref<4x128xi32, #tpu.memory_space<vmem_shared>>
      tpu.wait_dma2 semaphore(%run_scoped3A_509 : memref<!tpu.dma_semaphore, #tpu.memory_space<semaphore_mem>>) src(%arg20 : memref<4x128xi32, #tpu.memory_space<vmem>>) dst(%dma_wait3A_525 : memref<4x128xi32, #tpu.memory_space<vmem_shared>>)
      tpu.yield
    }) : () -> ()
    %run_scoped3A_94 = arith.constant 0 : i32
    "tpu.region"() ({
      %run_scoped3A_509 = tpu.sem_alloc : memref<!tpu.dma_semaphore, #tpu.memory_space<semaphore_mem>>
      %dma_start3A_510 = arith.constant 0 : i32
      %dma_start3A_511 = arith.constant 0 : i32
      %dma_start3A_512 = tpu.memref_slice %arg32[%arg1, %run_scoped3A_94, %dma_start3A_510, %dma_start3A_511] : memref<16x2x4x128xi32, #tpu.memory_space<vmem_shared>> -> memref<1x1x4x128xi32, #tpu.memory_space<vmem_shared>>
      %dma_start3A_513 = tpu.memref_squeeze %dma_start3A_512 : memref<1x1x4x128xi32, #tpu.memory_space<vmem_shared>> -> memref<4x128xi32, #tpu.memory_space<vmem_shared>>
      tpu.enqueue_dma source(%dma_start3A_513 : memref<4x128xi32, #tpu.memory_space<vmem_shared>>) target(%arg30 : memref<4x128xi32, #tpu.memory_space<smem>>) target_semaphore(%run_scoped3A_509 : memref<!tpu.dma_semaphore, #tpu.memory_space<semaphore_mem>>)
      %dma_wait3A_514 = arith.constant 0 : i32
      %dma_wait3A_515 = arith.constant 0 : i32
      %dma_wait3A_516 = tpu.memref_slice %arg32[%arg1, %run_scoped3A_94, %dma_wait3A_514, %dma_wait3A_515] : memref<16x2x4x128xi32, #tpu.memory_space<vmem_shared>> -> memref<1x1x4x128xi32, #tpu.memory_space<vmem_shared>>
      %dma_wait3A_517 = tpu.memref_squeeze %dma_wait3A_516 : memref<1x1x4x128xi32, #tpu.memory_space<vmem_shared>> -> memref<4x128xi32, #tpu.memory_space<vmem_shared>>
      tpu.wait_dma2 semaphore(%run_scoped3A_509 : memref<!tpu.dma_semaphore, #tpu.memory_space<semaphore_mem>>) src(%dma_wait3A_517 : memref<4x128xi32, #tpu.memory_space<vmem_shared>>) dst(%arg30 : memref<4x128xi32, #tpu.memory_space<smem>>)
      tpu.yield
    }) : () -> ()
    %run_scoped3A_95 = arith.constant 1 : i32
    "tpu.region"() ({
      %run_scoped3A_509 = tpu.sem_alloc : memref<!tpu.dma_semaphore, #tpu.memory_space<semaphore_mem>>
      %dma_start3A_510 = arith.constant 0 : i32
      %dma_start3A_511 = arith.constant 0 : i32
      %dma_start3A_512 = tpu.memref_slice %arg32[%arg1, %run_scoped3A_95, %dma_start3A_510, %dma_start3A_511] : memref<16x2x4x128xi32, #tpu.memory_space<vmem_shared>> -> memref<1x1x4x128xi32, #tpu.memory_space<vmem_shared>>
      %dma_start3A_513 = tpu.memref_squeeze %dma_start3A_512 : memref<1x1x4x128xi32, #tpu.memory_space<vmem_shared>> -> memref<4x128xi32, #tpu.memory_space<vmem_shared>>
      tpu.enqueue_dma source(%dma_start3A_513 : memref<4x128xi32, #tpu.memory_space<vmem_shared>>) target(%arg31 : memref<4x128xi32, #tpu.memory_space<smem>>) target_semaphore(%run_scoped3A_509 : memref<!tpu.dma_semaphore, #tpu.memory_space<semaphore_mem>>)
      %dma_wait3A_514 = arith.constant 0 : i32
      %dma_wait3A_515 = arith.constant 0 : i32
      %dma_wait3A_516 = tpu.memref_slice %arg32[%arg1, %run_scoped3A_95, %dma_wait3A_514, %dma_wait3A_515] : memref<16x2x4x128xi32, #tpu.memory_space<vmem_shared>> -> memref<1x1x4x128xi32, #tpu.memory_space<vmem_shared>>
      %dma_wait3A_517 = tpu.memref_squeeze %dma_wait3A_516 : memref<1x1x4x128xi32, #tpu.memory_space<vmem_shared>> -> memref<4x128xi32, #tpu.memory_space<vmem_shared>>
      tpu.wait_dma2 semaphore(%run_scoped3A_509 : memref<!tpu.dma_semaphore, #tpu.memory_space<semaphore_mem>>) src(%dma_wait3A_517 : memref<4x128xi32, #tpu.memory_space<vmem_shared>>) dst(%arg31 : memref<4x128xi32, #tpu.memory_space<smem>>)
      tpu.yield
    }) : () -> ()
    %scan3A = arith.constant 0 : i32
    %scan3A_96 = arith.constant 0 : i32
    %scan3A_97 = arith.constant 32 : i32
    %scan3A_98 = arith.addi %scan3A_96, %scan3A_97 : i32
    %scan3A_99 = arith.constant 1 : i32
    scf.for %scan3A_509 = %scan3A_96 to %scan3A_98 step %scan3A_99  : i32 {
      %jit3A = arith.constant 8 : i32
      %div3A = arith.divsi %scan3A_509, %jit3A : i32
      %sign3A = arith.constant 0 : i32
      %sign3A_510 = arith.cmpi sgt, %scan3A_509, %sign3A : i32
      %sign3A_511 = arith.extui %sign3A_510 : i1 to i32
      %sign3A_512 = arith.constant 0 : i32
      %sign3A_513 = arith.cmpi slt, %scan3A_509, %sign3A_512 : i32
      %sign3A_514 = arith.extui %sign3A_513 : i1 to i32
      %sign3A_515 = arith.subi %sign3A_511, %sign3A_514 : i32
      %sign3A_516 = arith.constant 0 : i32
      %sign3A_517 = arith.cmpi sgt, %jit3A, %sign3A_516 : i32
      %sign3A_518 = arith.extui %sign3A_517 : i1 to i32
      %sign3A_519 = arith.constant 0 : i32
      %sign3A_520 = arith.cmpi slt, %jit3A, %sign3A_519 : i32
      %sign3A_521 = arith.extui %sign3A_520 : i1 to i32
      %sign3A_522 = arith.subi %sign3A_518, %sign3A_521 : i32
      %ne3A = arith.cmpi ne, %sign3A_515, %sign3A_522 : i32
      %rem3A = arith.remsi %scan3A_509, %jit3A : i32
      %ne3A_523 = arith.constant 0 : i32
      %ne3A_524 = arith.cmpi ne, %rem3A, %ne3A_523 : i32
      %and3A = arith.andi %ne3A, %ne3A_524 : i1
      %sub3A = arith.constant 1 : i32
      %sub3A_525 = arith.subi %div3A, %sub3A : i32
      %select_n3A = arith.select %and3A, %sub3A_525, %div3A : i32
      %jit3A_526 = arith.constant 8 : i32
      %eq3A = arith.constant 0 : i32
      %eq3A_527 = arith.cmpi eq, %jit3A_526, %eq3A : i32
      %jit3A_528 = arith.constant 1 : i32
      %select_n3A_529 = arith.select %eq3A_527, %jit3A_528, %jit3A_526 : i32
      %rem3A_530 = arith.remsi %scan3A_509, %select_n3A_529 : i32
      %ne3A_531 = arith.constant 0 : i32
      %ne3A_532 = arith.cmpi ne, %rem3A_530, %ne3A_531 : i32
      %lt3A = arith.constant 0 : i32
      %lt3A_533 = arith.cmpi slt, %rem3A_530, %lt3A : i32
      %lt3A_534 = arith.constant 0 : i32
      %lt3A_535 = arith.cmpi slt, %select_n3A_529, %lt3A_534 : i32
      %ne3A_536 = arith.xori %lt3A_533, %lt3A_535 : i1
      %and3A_537 = arith.andi %ne3A_536, %ne3A_532 : i1
      %add3A_538 = arith.addi %rem3A_530, %select_n3A_529 : i32
      %select_n3A_539 = arith.select %and3A_537, %add3A_538, %rem3A_530 : i32
      %mul3A_540 = arith.constant 16 : i32
      %mul3A_541 = arith.muli %select_n3A_539, %mul3A_540 : i32
      %get3A = arith.index_cast %select_n3A : i32 to index
      %get3A_542 = arith.index_cast %mul3A_541 : i32 to index
      %get3A_543 = tpu.vector_load %arg20[%get3A, %get3A_542] {strides = array<i32>} : memref<4x128xi32, #tpu.memory_space<vmem>>, vector<16xi32>,
      %sub3A_544 = arith.constant 1 : i32
      %sub3A_545 = vector.broadcast %sub3A_544 : i32 to vector<16xi32>
      %sub3A_546 = arith.subi %get3A_543, %sub3A_545 : vector<16xi32>
      %max3A = arith.constant 0 : i32
      %max3A_547 = vector.broadcast %max3A : i32 to vector<16xi32>
      %max3A_548 = arith.maxsi %sub3A_546, %max3A_547 : vector<16xi32>
      %swap3A = arith.index_cast %select_n3A : i32 to index
      %swap3A_549 = arith.index_cast %mul3A_541 : i32 to index
      %swap3A_550 = tpu.vector_load %arg21[%swap3A, %swap3A_549] {strides = array<i32>} : memref<4x128xi32, #tpu.memory_space<vmem>>, vector<16xi32>,
      tpu.vector_store %arg21[%swap3A, %swap3A_549], %max3A_548 {strides = array<i32>} : memref<4x128xi32, #tpu.memory_space<vmem>>, vector<16xi32>,
    }
    %scan3A_100 = arith.constant 32 : i32
    %dma_start3A_101 = arith.constant 0 : i32
    %dma_start3A_102 = arith.constant 0 : i32
    %dma_start3A_103 = tpu.memref_slice %arg24[%dma_start3A_102] : memref<512xi32, #tpu.memory_space<vmem>> -> memref<128xi32, #tpu.memory_space<vmem>>
    %dma_start3A_104 = arith.constant 0 : i32
    %dma_start3A_105 = tpu.memref_slice %arg19[%dma_start3A_101, %dma_start3A_104] : memref<4x128xi32, #tpu.memory_space<vmem>> -> memref<1x128xi32, #tpu.memory_space<vmem>>
    %dma_start3A_106 = tpu.memref_squeeze %dma_start3A_105 : memref<1x128xi32, #tpu.memory_space<vmem>> -> memref<128xi32, #tpu.memory_space<vmem>>
    %dma_start3A_107 = arith.constant 0 : i32
    %dma_start3A_108 = tpu.memref_slice %arg6[%dma_start3A_107] : memref<1000000xi32, #tpu.memory_space<hbm>> -> memref<1000000xi32, #tpu.memory_space<hbm>>
    tpu.enqueue_indirect_dma source(%dma_start3A_108 : memref<1000000xi32, #tpu.memory_space<hbm>>) target(%dma_start3A_103 : memref<128xi32, #tpu.memory_space<vmem>>) offsets(%dma_start3A_106 : memref<128xi32, #tpu.memory_space<vmem>>) semaphore(%arg33 : memref<!tpu.dma_semaphore, #tpu.memory_space<semaphore_mem>>)
    %dma_start3A_109 = arith.constant 0 : i32
    %dma_start3A_110 = arith.constant 0 : i32
    %dma_start3A_111 = tpu.memref_slice %arg25[%dma_start3A_110] : memref<512xi32, #tpu.memory_space<vmem>> -> memref<128xi32, #tpu.memory_space<vmem>>
    %dma_start3A_112 = arith.constant 0 : i32
    %dma_start3A_113 = tpu.memref_slice %arg21[%dma_start3A_109, %dma_start3A_112] : memref<4x128xi32, #tpu.memory_space<vmem>> -> memref<1x128xi32, #tpu.memory_space<vmem>>
    %dma_start3A_114 = tpu.memref_squeeze %dma_start3A_113 : memref<1x128xi32, #tpu.memory_space<vmem>> -> memref<128xi32, #tpu.memory_space<vmem>>
    %dma_start3A_115 = arith.constant 0 : i32
    %dma_start3A_116 = tpu.memref_slice %arg11[%dma_start3A_115] : memref<16384xi32, #tpu.memory_space<hbm>> -> memref<16384xi32, #tpu.memory_space<hbm>>
    tpu.enqueue_indirect_dma source(%dma_start3A_116 : memref<16384xi32, #tpu.memory_space<hbm>>) target(%dma_start3A_111 : memref<128xi32, #tpu.memory_space<vmem>>) offsets(%dma_start3A_114 : memref<128xi32, #tpu.memory_space<vmem>>) semaphore(%arg33 : memref<!tpu.dma_semaphore, #tpu.memory_space<semaphore_mem>>)
    %dma_start3A_117 = arith.constant 0 : i32
    %dma_start3A_118 = arith.constant 0 : i32
    %dma_start3A_119 = tpu.memref_slice %arg26[%dma_start3A_118] : memref<512xf32, #tpu.memory_space<vmem>> -> memref<128xf32, #tpu.memory_space<vmem>>
    %dma_start3A_120 = arith.constant 0 : i32
    %dma_start3A_121 = tpu.memref_slice %arg19[%dma_start3A_117, %dma_start3A_120] : memref<4x128xi32, #tpu.memory_space<vmem>> -> memref<1x128xi32, #tpu.memory_space<vmem>>
    %dma_start3A_122 = tpu.memref_squeeze %dma_start3A_121 : memref<1x128xi32, #tpu.memory_space<vmem>> -> memref<128xi32, #tpu.memory_space<vmem>>
    %dma_start3A_123 = arith.constant 0 : i32
    %dma_start3A_124 = tpu.memref_slice %arg7[%dma_start3A_123] : memref<1000000xf32, #tpu.memory_space<hbm>> -> memref<1000000xf32, #tpu.memory_space<hbm>>
    tpu.enqueue_indirect_dma source(%dma_start3A_124 : memref<1000000xf32, #tpu.memory_space<hbm>>) target(%dma_start3A_119 : memref<128xf32, #tpu.memory_space<vmem>>) offsets(%dma_start3A_122 : memref<128xi32, #tpu.memory_space<vmem>>) semaphore(%arg33 : memref<!tpu.dma_semaphore, #tpu.memory_space<semaphore_mem>>)
    %dma_start3A_125 = arith.constant 0 : i32
    %dma_start3A_126 = arith.constant 0 : i32
    %dma_start3A_127 = tpu.memref_slice %arg27[%dma_start3A_126] : memref<512xf32, #tpu.memory_space<vmem>> -> memref<128xf32, #tpu.memory_space<vmem>>
    %dma_start3A_128 = arith.constant 0 : i32
    %dma_start3A_129 = tpu.memref_slice %arg21[%dma_start3A_125, %dma_start3A_128] : memref<4x128xi32, #tpu.memory_space<vmem>> -> memref<1x128xi32, #tpu.memory_space<vmem>>
    %dma_start3A_130 = tpu.memref_squeeze %dma_start3A_129 : memref<1x128xi32, #tpu.memory_space<vmem>> -> memref<128xi32, #tpu.memory_space<vmem>>
    %dma_start3A_131 = arith.constant 0 : i32
    %dma_start3A_132 = tpu.memref_slice %arg12[%dma_start3A_131] : memref<16384xf32, #tpu.memory_space<hbm>> -> memref<16384xf32, #tpu.memory_space<hbm>>
    tpu.enqueue_indirect_dma source(%dma_start3A_132 : memref<16384xf32, #tpu.memory_space<hbm>>) target(%dma_start3A_127 : memref<128xf32, #tpu.memory_space<vmem>>) offsets(%dma_start3A_130 : memref<128xi32, #tpu.memory_space<vmem>>) semaphore(%arg33 : memref<!tpu.dma_semaphore, #tpu.memory_space<semaphore_mem>>)
    %dma_start3A_133 = arith.constant 0 : i32
    %dma_start3A_134 = arith.constant 0 : i32
    %dma_start3A_135 = tpu.memref_slice %arg28[%dma_start3A_134] : memref<512xf32, #tpu.memory_space<vmem>> -> memref<128xf32, #tpu.memory_space<vmem>>
    %dma_start3A_136 = arith.constant 0 : i32
    %dma_start3A_137 = tpu.memref_slice %arg19[%dma_start3A_133, %dma_start3A_136] : memref<4x128xi32, #tpu.memory_space<vmem>> -> memref<1x128xi32, #tpu.memory_space<vmem>>
    %dma_start3A_138 = tpu.memref_squeeze %dma_start3A_137 : memref<1x128xi32, #tpu.memory_space<vmem>> -> memref<128xi32, #tpu.memory_space<vmem>>
    %dma_start3A_139 = arith.constant 0 : i32
    %dma_start3A_140 = tpu.memref_slice %arg8[%dma_start3A_139] : memref<1000000xf32, #tpu.memory_space<hbm>> -> memref<1000000xf32, #tpu.memory_space<hbm>>
    tpu.enqueue_indirect_dma source(%dma_start3A_140 : memref<1000000xf32, #tpu.memory_space<hbm>>) target(%dma_start3A_135 : memref<128xf32, #tpu.memory_space<vmem>>) offsets(%dma_start3A_138 : memref<128xi32, #tpu.memory_space<vmem>>) semaphore(%arg33 : memref<!tpu.dma_semaphore, #tpu.memory_space<semaphore_mem>>)
    %dma_start3A_141 = arith.constant 0 : i32
    %dma_start3A_142 = arith.constant 0 : i32
    %dma_start3A_143 = tpu.memref_slice %arg29[%dma_start3A_142] : memref<512xf32, #tpu.memory_space<vmem>> -> memref<128xf32, #tpu.memory_space<vmem>>
    %dma_start3A_144 = arith.constant 0 : i32
    %dma_start3A_145 = tpu.memref_slice %arg21[%dma_start3A_141, %dma_start3A_144] : memref<4x128xi32, #tpu.memory_space<vmem>> -> memref<1x128xi32, #tpu.memory_space<vmem>>
    %dma_start3A_146 = tpu.memref_squeeze %dma_start3A_145 : memref<1x128xi32, #tpu.memory_space<vmem>> -> memref<128xi32, #tpu.memory_space<vmem>>
    %dma_start3A_147 = arith.constant 0 : i32
    %dma_start3A_148 = tpu.memref_slice %arg13[%dma_start3A_147] : memref<16384xf32, #tpu.memory_space<hbm>> -> memref<16384xf32, #tpu.memory_space<hbm>>
    tpu.enqueue_indirect_dma source(%dma_start3A_148 : memref<16384xf32, #tpu.memory_space<hbm>>) target(%dma_start3A_143 : memref<128xf32, #tpu.memory_space<vmem>>) offsets(%dma_start3A_146 : memref<128xi32, #tpu.memory_space<vmem>>) semaphore(%arg33 : memref<!tpu.dma_semaphore, #tpu.memory_space<semaphore_mem>>)
    %dma_start3A_149 = arith.constant 1 : i32
    %dma_start3A_150 = arith.constant 128 : i32
    %dma_start3A_151 = tpu.memref_slice %arg24[%dma_start3A_150] : memref<512xi32, #tpu.memory_space<vmem>> -> memref<128xi32, #tpu.memory_space<vmem>>
    %dma_start3A_152 = arith.constant 0 : i32
    %dma_start3A_153 = tpu.memref_slice %arg19[%dma_start3A_149, %dma_start3A_152] : memref<4x128xi32, #tpu.memory_space<vmem>> -> memref<1x128xi32, #tpu.memory_space<vmem>>
    %dma_start3A_154 = tpu.memref_squeeze %dma_start3A_153 : memref<1x128xi32, #tpu.memory_space<vmem>> -> memref<128xi32, #tpu.memory_space<vmem>>
    %dma_start3A_155 = arith.constant 0 : i32
    %dma_start3A_156 = tpu.memref_slice %arg6[%dma_start3A_155] : memref<1000000xi32, #tpu.memory_space<hbm>> -> memref<1000000xi32, #tpu.memory_space<hbm>>
    tpu.enqueue_indirect_dma source(%dma_start3A_156 : memref<1000000xi32, #tpu.memory_space<hbm>>) target(%dma_start3A_151 : memref<128xi32, #tpu.memory_space<vmem>>) offsets(%dma_start3A_154 : memref<128xi32, #tpu.memory_space<vmem>>) semaphore(%arg33 : memref<!tpu.dma_semaphore, #tpu.memory_space<semaphore_mem>>)
    %dma_start3A_157 = arith.constant 1 : i32
    %dma_start3A_158 = arith.constant 128 : i32
    %dma_start3A_159 = tpu.memref_slice %arg25[%dma_start3A_158] : memref<512xi32, #tpu.memory_space<vmem>> -> memref<128xi32, #tpu.memory_space<vmem>>
    %dma_start3A_160 = arith.constant 0 : i32
    %dma_start3A_161 = tpu.memref_slice %arg21[%dma_start3A_157, %dma_start3A_160] : memref<4x128xi32, #tpu.memory_space<vmem>> -> memref<1x128xi32, #tpu.memory_space<vmem>>
    %dma_start3A_162 = tpu.memref_squeeze %dma_start3A_161 : memref<1x128xi32, #tpu.memory_space<vmem>> -> memref<128xi32, #tpu.memory_space<vmem>>
    %dma_start3A_163 = arith.constant 0 : i32
    %dma_start3A_164 = tpu.memref_slice %arg11[%dma_start3A_163] : memref<16384xi32, #tpu.memory_space<hbm>> -> memref<16384xi32, #tpu.memory_space<hbm>>
    tpu.enqueue_indirect_dma source(%dma_start3A_164 : memref<16384xi32, #tpu.memory_space<hbm>>) target(%dma_start3A_159 : memref<128xi32, #tpu.memory_space<vmem>>) offsets(%dma_start3A_162 : memref<128xi32, #tpu.memory_space<vmem>>) semaphore(%arg33 : memref<!tpu.dma_semaphore, #tpu.memory_space<semaphore_mem>>)
    %dma_start3A_165 = arith.constant 1 : i32
    %dma_start3A_166 = arith.constant 128 : i32
    %dma_start3A_167 = tpu.memref_slice %arg26[%dma_start3A_166] : memref<512xf32, #tpu.memory_space<vmem>> -> memref<128xf32, #tpu.memory_space<vmem>>
    %dma_start3A_168 = arith.constant 0 : i32
    %dma_start3A_169 = tpu.memref_slice %arg19[%dma_start3A_165, %dma_start3A_168] : memref<4x128xi32, #tpu.memory_space<vmem>> -> memref<1x128xi32, #tpu.memory_space<vmem>>
    %dma_start3A_170 = tpu.memref_squeeze %dma_start3A_169 : memref<1x128xi32, #tpu.memory_space<vmem>> -> memref<128xi32, #tpu.memory_space<vmem>>
    %dma_start3A_171 = arith.constant 0 : i32
    %dma_start3A_172 = tpu.memref_slice %arg7[%dma_start3A_171] : memref<1000000xf32, #tpu.memory_space<hbm>> -> memref<1000000xf32, #tpu.memory_space<hbm>>
    tpu.enqueue_indirect_dma source(%dma_start3A_172 : memref<1000000xf32, #tpu.memory_space<hbm>>) target(%dma_start3A_167 : memref<128xf32, #tpu.memory_space<vmem>>) offsets(%dma_start3A_170 : memref<128xi32, #tpu.memory_space<vmem>>) semaphore(%arg33 : memref<!tpu.dma_semaphore, #tpu.memory_space<semaphore_mem>>)
    %dma_start3A_173 = arith.constant 1 : i32
    %dma_start3A_174 = arith.constant 128 : i32
    %dma_start3A_175 = tpu.memref_slice %arg27[%dma_start3A_174] : memref<512xf32, #tpu.memory_space<vmem>> -> memref<128xf32, #tpu.memory_space<vmem>>
    %dma_start3A_176 = arith.constant 0 : i32
    %dma_start3A_177 = tpu.memref_slice %arg21[%dma_start3A_173, %dma_start3A_176] : memref<4x128xi32, #tpu.memory_space<vmem>> -> memref<1x128xi32, #tpu.memory_space<vmem>>
    %dma_start3A_178 = tpu.memref_squeeze %dma_start3A_177 : memref<1x128xi32, #tpu.memory_space<vmem>> -> memref<128xi32, #tpu.memory_space<vmem>>
    %dma_start3A_179 = arith.constant 0 : i32
    %dma_start3A_180 = tpu.memref_slice %arg12[%dma_start3A_179] : memref<16384xf32, #tpu.memory_space<hbm>> -> memref<16384xf32, #tpu.memory_space<hbm>>
    tpu.enqueue_indirect_dma source(%dma_start3A_180 : memref<16384xf32, #tpu.memory_space<hbm>>) target(%dma_start3A_175 : memref<128xf32, #tpu.memory_space<vmem>>) offsets(%dma_start3A_178 : memref<128xi32, #tpu.memory_space<vmem>>) semaphore(%arg33 : memref<!tpu.dma_semaphore, #tpu.memory_space<semaphore_mem>>)
    %dma_start3A_181 = arith.constant 1 : i32
    %dma_start3A_182 = arith.constant 128 : i32
    %dma_start3A_183 = tpu.memref_slice %arg28[%dma_start3A_182] : memref<512xf32, #tpu.memory_space<vmem>> -> memref<128xf32, #tpu.memory_space<vmem>>
    %dma_start3A_184 = arith.constant 0 : i32
    %dma_start3A_185 = tpu.memref_slice %arg19[%dma_start3A_181, %dma_start3A_184] : memref<4x128xi32, #tpu.memory_space<vmem>> -> memref<1x128xi32, #tpu.memory_space<vmem>>
    %dma_start3A_186 = tpu.memref_squeeze %dma_start3A_185 : memref<1x128xi32, #tpu.memory_space<vmem>> -> memref<128xi32, #tpu.memory_space<vmem>>
    %dma_start3A_187 = arith.constant 0 : i32
    %dma_start3A_188 = tpu.memref_slice %arg8[%dma_start3A_187] : memref<1000000xf32, #tpu.memory_space<hbm>> -> memref<1000000xf32, #tpu.memory_space<hbm>>
    tpu.enqueue_indirect_dma source(%dma_start3A_188 : memref<1000000xf32, #tpu.memory_space<hbm>>) target(%dma_start3A_183 : memref<128xf32, #tpu.memory_space<vmem>>) offsets(%dma_start3A_186 : memref<128xi32, #tpu.memory_space<vmem>>) semaphore(%arg33 : memref<!tpu.dma_semaphore, #tpu.memory_space<semaphore_mem>>)
    %dma_start3A_189 = arith.constant 1 : i32
    %dma_start3A_190 = arith.constant 128 : i32
    %dma_start3A_191 = tpu.memref_slice %arg29[%dma_start3A_190] : memref<512xf32, #tpu.memory_space<vmem>> -> memref<128xf32, #tpu.memory_space<vmem>>
    %dma_start3A_192 = arith.constant 0 : i32
    %dma_start3A_193 = tpu.memref_slice %arg21[%dma_start3A_189, %dma_start3A_192] : memref<4x128xi32, #tpu.memory_space<vmem>> -> memref<1x128xi32, #tpu.memory_space<vmem>>
    %dma_start3A_194 = tpu.memref_squeeze %dma_start3A_193 : memref<1x128xi32, #tpu.memory_space<vmem>> -> memref<128xi32, #tpu.memory_space<vmem>>
    %dma_start3A_195 = arith.constant 0 : i32
    %dma_start3A_196 = tpu.memref_slice %arg13[%dma_start3A_195] : memref<16384xf32, #tpu.memory_space<hbm>> -> memref<16384xf32, #tpu.memory_space<hbm>>
    tpu.enqueue_indirect_dma source(%dma_start3A_196 : memref<16384xf32, #tpu.memory_space<hbm>>) target(%dma_start3A_191 : memref<128xf32, #tpu.memory_space<vmem>>) offsets(%dma_start3A_194 : memref<128xi32, #tpu.memory_space<vmem>>) semaphore(%arg33 : memref<!tpu.dma_semaphore, #tpu.memory_space<semaphore_mem>>)
    %dma_start3A_197 = arith.constant 2 : i32
    %dma_start3A_198 = arith.constant 256 : i32
    %dma_start3A_199 = tpu.memref_slice %arg24[%dma_start3A_198] : memref<512xi32, #tpu.memory_space<vmem>> -> memref<128xi32, #tpu.memory_space<vmem>>
    %dma_start3A_200 = arith.constant 0 : i32
    %dma_start3A_201 = tpu.memref_slice %arg19[%dma_start3A_197, %dma_start3A_200] : memref<4x128xi32, #tpu.memory_space<vmem>> -> memref<1x128xi32, #tpu.memory_space<vmem>>
    %dma_start3A_202 = tpu.memref_squeeze %dma_start3A_201 : memref<1x128xi32, #tpu.memory_space<vmem>> -> memref<128xi32, #tpu.memory_space<vmem>>
    %dma_start3A_203 = arith.constant 0 : i32
    %dma_start3A_204 = tpu.memref_slice %arg6[%dma_start3A_203] : memref<1000000xi32, #tpu.memory_space<hbm>> -> memref<1000000xi32, #tpu.memory_space<hbm>>
    tpu.enqueue_indirect_dma source(%dma_start3A_204 : memref<1000000xi32, #tpu.memory_space<hbm>>) target(%dma_start3A_199 : memref<128xi32, #tpu.memory_space<vmem>>) offsets(%dma_start3A_202 : memref<128xi32, #tpu.memory_space<vmem>>) semaphore(%arg33 : memref<!tpu.dma_semaphore, #tpu.memory_space<semaphore_mem>>)
    %dma_start3A_205 = arith.constant 2 : i32
    %dma_start3A_206 = arith.constant 256 : i32
    %dma_start3A_207 = tpu.memref_slice %arg25[%dma_start3A_206] : memref<512xi32, #tpu.memory_space<vmem>> -> memref<128xi32, #tpu.memory_space<vmem>>
    %dma_start3A_208 = arith.constant 0 : i32
    %dma_start3A_209 = tpu.memref_slice %arg21[%dma_start3A_205, %dma_start3A_208] : memref<4x128xi32, #tpu.memory_space<vmem>> -> memref<1x128xi32, #tpu.memory_space<vmem>>
    %dma_start3A_210 = tpu.memref_squeeze %dma_start3A_209 : memref<1x128xi32, #tpu.memory_space<vmem>> -> memref<128xi32, #tpu.memory_space<vmem>>
    %dma_start3A_211 = arith.constant 0 : i32
    %dma_start3A_212 = tpu.memref_slice %arg11[%dma_start3A_211] : memref<16384xi32, #tpu.memory_space<hbm>> -> memref<16384xi32, #tpu.memory_space<hbm>>
    tpu.enqueue_indirect_dma source(%dma_start3A_212 : memref<16384xi32, #tpu.memory_space<hbm>>) target(%dma_start3A_207 : memref<128xi32, #tpu.memory_space<vmem>>) offsets(%dma_start3A_210 : memref<128xi32, #tpu.memory_space<vmem>>) semaphore(%arg33 : memref<!tpu.dma_semaphore, #tpu.memory_space<semaphore_mem>>)
    %dma_start3A_213 = arith.constant 2 : i32
    %dma_start3A_214 = arith.constant 256 : i32
    %dma_start3A_215 = tpu.memref_slice %arg26[%dma_start3A_214] : memref<512xf32, #tpu.memory_space<vmem>> -> memref<128xf32, #tpu.memory_space<vmem>>
    %dma_start3A_216 = arith.constant 0 : i32
    %dma_start3A_217 = tpu.memref_slice %arg19[%dma_start3A_213, %dma_start3A_216] : memref<4x128xi32, #tpu.memory_space<vmem>> -> memref<1x128xi32, #tpu.memory_space<vmem>>
    %dma_start3A_218 = tpu.memref_squeeze %dma_start3A_217 : memref<1x128xi32, #tpu.memory_space<vmem>> -> memref<128xi32, #tpu.memory_space<vmem>>
    %dma_start3A_219 = arith.constant 0 : i32
    %dma_start3A_220 = tpu.memref_slice %arg7[%dma_start3A_219] : memref<1000000xf32, #tpu.memory_space<hbm>> -> memref<1000000xf32, #tpu.memory_space<hbm>>
    tpu.enqueue_indirect_dma source(%dma_start3A_220 : memref<1000000xf32, #tpu.memory_space<hbm>>) target(%dma_start3A_215 : memref<128xf32, #tpu.memory_space<vmem>>) offsets(%dma_start3A_218 : memref<128xi32, #tpu.memory_space<vmem>>) semaphore(%arg33 : memref<!tpu.dma_semaphore, #tpu.memory_space<semaphore_mem>>)
    %dma_start3A_221 = arith.constant 2 : i32
    %dma_start3A_222 = arith.constant 256 : i32
    %dma_start3A_223 = tpu.memref_slice %arg27[%dma_start3A_222] : memref<512xf32, #tpu.memory_space<vmem>> -> memref<128xf32, #tpu.memory_space<vmem>>
    %dma_start3A_224 = arith.constant 0 : i32
    %dma_start3A_225 = tpu.memref_slice %arg21[%dma_start3A_221, %dma_start3A_224] : memref<4x128xi32, #tpu.memory_space<vmem>> -> memref<1x128xi32, #tpu.memory_space<vmem>>
    %dma_start3A_226 = tpu.memref_squeeze %dma_start3A_225 : memref<1x128xi32, #tpu.memory_space<vmem>> -> memref<128xi32, #tpu.memory_space<vmem>>
    %dma_start3A_227 = arith.constant 0 : i32
    %dma_start3A_228 = tpu.memref_slice %arg12[%dma_start3A_227] : memref<16384xf32, #tpu.memory_space<hbm>> -> memref<16384xf32, #tpu.memory_space<hbm>>
    tpu.enqueue_indirect_dma source(%dma_start3A_228 : memref<16384xf32, #tpu.memory_space<hbm>>) target(%dma_start3A_223 : memref<128xf32, #tpu.memory_space<vmem>>) offsets(%dma_start3A_226 : memref<128xi32, #tpu.memory_space<vmem>>) semaphore(%arg33 : memref<!tpu.dma_semaphore, #tpu.memory_space<semaphore_mem>>)
    %dma_start3A_229 = arith.constant 2 : i32
    %dma_start3A_230 = arith.constant 256 : i32
    %dma_start3A_231 = tpu.memref_slice %arg28[%dma_start3A_230] : memref<512xf32, #tpu.memory_space<vmem>> -> memref<128xf32, #tpu.memory_space<vmem>>
    %dma_start3A_232 = arith.constant 0 : i32
    %dma_start3A_233 = tpu.memref_slice %arg19[%dma_start3A_229, %dma_start3A_232] : memref<4x128xi32, #tpu.memory_space<vmem>> -> memref<1x128xi32, #tpu.memory_space<vmem>>
    %dma_start3A_234 = tpu.memref_squeeze %dma_start3A_233 : memref<1x128xi32, #tpu.memory_space<vmem>> -> memref<128xi32, #tpu.memory_space<vmem>>
    %dma_start3A_235 = arith.constant 0 : i32
    %dma_start3A_236 = tpu.memref_slice %arg8[%dma_start3A_235] : memref<1000000xf32, #tpu.memory_space<hbm>> -> memref<1000000xf32, #tpu.memory_space<hbm>>
    tpu.enqueue_indirect_dma source(%dma_start3A_236 : memref<1000000xf32, #tpu.memory_space<hbm>>) target(%dma_start3A_231 : memref<128xf32, #tpu.memory_space<vmem>>) offsets(%dma_start3A_234 : memref<128xi32, #tpu.memory_space<vmem>>) semaphore(%arg33 : memref<!tpu.dma_semaphore, #tpu.memory_space<semaphore_mem>>)
    %dma_start3A_237 = arith.constant 2 : i32
    %dma_start3A_238 = arith.constant 256 : i32
    %dma_start3A_239 = tpu.memref_slice %arg29[%dma_start3A_238] : memref<512xf32, #tpu.memory_space<vmem>> -> memref<128xf32, #tpu.memory_space<vmem>>
    %dma_start3A_240 = arith.constant 0 : i32
    %dma_start3A_241 = tpu.memref_slice %arg21[%dma_start3A_237, %dma_start3A_240] : memref<4x128xi32, #tpu.memory_space<vmem>> -> memref<1x128xi32, #tpu.memory_space<vmem>>
    %dma_start3A_242 = tpu.memref_squeeze %dma_start3A_241 : memref<1x128xi32, #tpu.memory_space<vmem>> -> memref<128xi32, #tpu.memory_space<vmem>>
    %dma_start3A_243 = arith.constant 0 : i32
    %dma_start3A_244 = tpu.memref_slice %arg13[%dma_start3A_243] : memref<16384xf32, #tpu.memory_space<hbm>> -> memref<16384xf32, #tpu.memory_space<hbm>>
    tpu.enqueue_indirect_dma source(%dma_start3A_244 : memref<16384xf32, #tpu.memory_space<hbm>>) target(%dma_start3A_239 : memref<128xf32, #tpu.memory_space<vmem>>) offsets(%dma_start3A_242 : memref<128xi32, #tpu.memory_space<vmem>>) semaphore(%arg33 : memref<!tpu.dma_semaphore, #tpu.memory_space<semaphore_mem>>)
    %dma_start3A_245 = arith.constant 3 : i32
    %dma_start3A_246 = arith.constant 384 : i32
    %dma_start3A_247 = tpu.memref_slice %arg24[%dma_start3A_246] : memref<512xi32, #tpu.memory_space<vmem>> -> memref<128xi32, #tpu.memory_space<vmem>>
    %dma_start3A_248 = arith.constant 0 : i32
    %dma_start3A_249 = tpu.memref_slice %arg19[%dma_start3A_245, %dma_start3A_248] : memref<4x128xi32, #tpu.memory_space<vmem>> -> memref<1x128xi32, #tpu.memory_space<vmem>>
    %dma_start3A_250 = tpu.memref_squeeze %dma_start3A_249 : memref<1x128xi32, #tpu.memory_space<vmem>> -> memref<128xi32, #tpu.memory_space<vmem>>
    %dma_start3A_251 = arith.constant 0 : i32
    %dma_start3A_252 = tpu.memref_slice %arg6[%dma_start3A_251] : memref<1000000xi32, #tpu.memory_space<hbm>> -> memref<1000000xi32, #tpu.memory_space<hbm>>
    tpu.enqueue_indirect_dma source(%dma_start3A_252 : memref<1000000xi32, #tpu.memory_space<hbm>>) target(%dma_start3A_247 : memref<128xi32, #tpu.memory_space<vmem>>) offsets(%dma_start3A_250 : memref<128xi32, #tpu.memory_space<vmem>>) semaphore(%arg33 : memref<!tpu.dma_semaphore, #tpu.memory_space<semaphore_mem>>)
    %dma_start3A_253 = arith.constant 3 : i32
    %dma_start3A_254 = arith.constant 384 : i32
    %dma_start3A_255 = tpu.memref_slice %arg25[%dma_start3A_254] : memref<512xi32, #tpu.memory_space<vmem>> -> memref<128xi32, #tpu.memory_space<vmem>>
    %dma_start3A_256 = arith.constant 0 : i32
    %dma_start3A_257 = tpu.memref_slice %arg21[%dma_start3A_253, %dma_start3A_256] : memref<4x128xi32, #tpu.memory_space<vmem>> -> memref<1x128xi32, #tpu.memory_space<vmem>>
    %dma_start3A_258 = tpu.memref_squeeze %dma_start3A_257 : memref<1x128xi32, #tpu.memory_space<vmem>> -> memref<128xi32, #tpu.memory_space<vmem>>
    %dma_start3A_259 = arith.constant 0 : i32
    %dma_start3A_260 = tpu.memref_slice %arg11[%dma_start3A_259] : memref<16384xi32, #tpu.memory_space<hbm>> -> memref<16384xi32, #tpu.memory_space<hbm>>
    tpu.enqueue_indirect_dma source(%dma_start3A_260 : memref<16384xi32, #tpu.memory_space<hbm>>) target(%dma_start3A_255 : memref<128xi32, #tpu.memory_space<vmem>>) offsets(%dma_start3A_258 : memref<128xi32, #tpu.memory_space<vmem>>) semaphore(%arg33 : memref<!tpu.dma_semaphore, #tpu.memory_space<semaphore_mem>>)
    %dma_start3A_261 = arith.constant 3 : i32
    %dma_start3A_262 = arith.constant 384 : i32
    %dma_start3A_263 = tpu.memref_slice %arg26[%dma_start3A_262] : memref<512xf32, #tpu.memory_space<vmem>> -> memref<128xf32, #tpu.memory_space<vmem>>
    %dma_start3A_264 = arith.constant 0 : i32
    %dma_start3A_265 = tpu.memref_slice %arg19[%dma_start3A_261, %dma_start3A_264] : memref<4x128xi32, #tpu.memory_space<vmem>> -> memref<1x128xi32, #tpu.memory_space<vmem>>
    %dma_start3A_266 = tpu.memref_squeeze %dma_start3A_265 : memref<1x128xi32, #tpu.memory_space<vmem>> -> memref<128xi32, #tpu.memory_space<vmem>>
    %dma_start3A_267 = arith.constant 0 : i32
    %dma_start3A_268 = tpu.memref_slice %arg7[%dma_start3A_267] : memref<1000000xf32, #tpu.memory_space<hbm>> -> memref<1000000xf32, #tpu.memory_space<hbm>>
    tpu.enqueue_indirect_dma source(%dma_start3A_268 : memref<1000000xf32, #tpu.memory_space<hbm>>) target(%dma_start3A_263 : memref<128xf32, #tpu.memory_space<vmem>>) offsets(%dma_start3A_266 : memref<128xi32, #tpu.memory_space<vmem>>) semaphore(%arg33 : memref<!tpu.dma_semaphore, #tpu.memory_space<semaphore_mem>>)
    %dma_start3A_269 = arith.constant 3 : i32
    %dma_start3A_270 = arith.constant 384 : i32
    %dma_start3A_271 = tpu.memref_slice %arg27[%dma_start3A_270] : memref<512xf32, #tpu.memory_space<vmem>> -> memref<128xf32, #tpu.memory_space<vmem>>
    %dma_start3A_272 = arith.constant 0 : i32
    %dma_start3A_273 = tpu.memref_slice %arg21[%dma_start3A_269, %dma_start3A_272] : memref<4x128xi32, #tpu.memory_space<vmem>> -> memref<1x128xi32, #tpu.memory_space<vmem>>
    %dma_start3A_274 = tpu.memref_squeeze %dma_start3A_273 : memref<1x128xi32, #tpu.memory_space<vmem>> -> memref<128xi32, #tpu.memory_space<vmem>>
    %dma_start3A_275 = arith.constant 0 : i32
    %dma_start3A_276 = tpu.memref_slice %arg12[%dma_start3A_275] : memref<16384xf32, #tpu.memory_space<hbm>> -> memref<16384xf32, #tpu.memory_space<hbm>>
    tpu.enqueue_indirect_dma source(%dma_start3A_276 : memref<16384xf32, #tpu.memory_space<hbm>>) target(%dma_start3A_271 : memref<128xf32, #tpu.memory_space<vmem>>) offsets(%dma_start3A_274 : memref<128xi32, #tpu.memory_space<vmem>>) semaphore(%arg33 : memref<!tpu.dma_semaphore, #tpu.memory_space<semaphore_mem>>)
    %dma_start3A_277 = arith.constant 3 : i32
    %dma_start3A_278 = arith.constant 384 : i32
    %dma_start3A_279 = tpu.memref_slice %arg28[%dma_start3A_278] : memref<512xf32, #tpu.memory_space<vmem>> -> memref<128xf32, #tpu.memory_space<vmem>>
    %dma_start3A_280 = arith.constant 0 : i32
    %dma_start3A_281 = tpu.memref_slice %arg19[%dma_start3A_277, %dma_start3A_280] : memref<4x128xi32, #tpu.memory_space<vmem>> -> memref<1x128xi32, #tpu.memory_space<vmem>>
    %dma_start3A_282 = tpu.memref_squeeze %dma_start3A_281 : memref<1x128xi32, #tpu.memory_space<vmem>> -> memref<128xi32, #tpu.memory_space<vmem>>
    %dma_start3A_283 = arith.constant 0 : i32
    %dma_start3A_284 = tpu.memref_slice %arg8[%dma_start3A_283] : memref<1000000xf32, #tpu.memory_space<hbm>> -> memref<1000000xf32, #tpu.memory_space<hbm>>
    tpu.enqueue_indirect_dma source(%dma_start3A_284 : memref<1000000xf32, #tpu.memory_space<hbm>>) target(%dma_start3A_279 : memref<128xf32, #tpu.memory_space<vmem>>) offsets(%dma_start3A_282 : memref<128xi32, #tpu.memory_space<vmem>>) semaphore(%arg33 : memref<!tpu.dma_semaphore, #tpu.memory_space<semaphore_mem>>)
    %dma_start3A_285 = arith.constant 3 : i32
    %dma_start3A_286 = arith.constant 384 : i32
    %dma_start3A_287 = tpu.memref_slice %arg29[%dma_start3A_286] : memref<512xf32, #tpu.memory_space<vmem>> -> memref<128xf32, #tpu.memory_space<vmem>>
    %dma_start3A_288 = arith.constant 0 : i32
    %dma_start3A_289 = tpu.memref_slice %arg21[%dma_start3A_285, %dma_start3A_288] : memref<4x128xi32, #tpu.memory_space<vmem>> -> memref<1x128xi32, #tpu.memory_space<vmem>>
    %dma_start3A_290 = tpu.memref_squeeze %dma_start3A_289 : memref<1x128xi32, #tpu.memory_space<vmem>> -> memref<128xi32, #tpu.memory_space<vmem>>
    %dma_start3A_291 = arith.constant 0 : i32
    %dma_start3A_292 = tpu.memref_slice %arg13[%dma_start3A_291] : memref<16384xf32, #tpu.memory_space<hbm>> -> memref<16384xf32, #tpu.memory_space<hbm>>
    tpu.enqueue_indirect_dma source(%dma_start3A_292 : memref<16384xf32, #tpu.memory_space<hbm>>) target(%dma_start3A_287 : memref<128xf32, #tpu.memory_space<vmem>>) offsets(%dma_start3A_290 : memref<128xi32, #tpu.memory_space<vmem>>) semaphore(%arg33 : memref<!tpu.dma_semaphore, #tpu.memory_space<semaphore_mem>>)
    %scan3A_293 = arith.constant 0 : i32
    %scan3A_294 = arith.constant 0 : i32
    %scan3A_295 = arith.constant 512 : i32
    %scan3A_296 = arith.addi %scan3A_294, %scan3A_295 : i32
    %scan3A_297 = arith.constant 1 : i32
    scf.for %scan3A_509 = %scan3A_294 to %scan3A_296 step %scan3A_297  : i32 {
      %jit3A = arith.constant 128 : i32
      %div3A = arith.divsi %scan3A_509, %jit3A : i32
      %sign3A = arith.constant 0 : i32
      %sign3A_510 = arith.cmpi sgt, %scan3A_509, %sign3A : i32
      %sign3A_511 = arith.extui %sign3A_510 : i1 to i32
      %sign3A_512 = arith.constant 0 : i32
      %sign3A_513 = arith.cmpi slt, %scan3A_509, %sign3A_512 : i32
      %sign3A_514 = arith.extui %sign3A_513 : i1 to i32
      %sign3A_515 = arith.subi %sign3A_511, %sign3A_514 : i32
      %sign3A_516 = arith.constant 0 : i32
      %sign3A_517 = arith.cmpi sgt, %jit3A, %sign3A_516 : i32
      %sign3A_518 = arith.extui %sign3A_517 : i1 to i32
      %sign3A_519 = arith.constant 0 : i32
      %sign3A_520 = arith.cmpi slt, %jit3A, %sign3A_519 : i32
      %sign3A_521 = arith.extui %sign3A_520 : i1 to i32
      %sign3A_522 = arith.subi %sign3A_518, %sign3A_521 : i32
      %ne3A = arith.cmpi ne, %sign3A_515, %sign3A_522 : i32
      %rem3A = arith.remsi %scan3A_509, %jit3A : i32
      %ne3A_523 = arith.constant 0 : i32
      %ne3A_524 = arith.cmpi ne, %rem3A, %ne3A_523 : i32
      %and3A = arith.andi %ne3A, %ne3A_524 : i1
      %sub3A = arith.constant 1 : i32
      %sub3A_525 = arith.subi %div3A, %sub3A : i32
      %select_n3A = arith.select %and3A, %sub3A_525, %div3A : i32
      %jit3A_526 = arith.constant 128 : i32
      %eq3A = arith.constant 0 : i32
      %eq3A_527 = arith.cmpi eq, %jit3A_526, %eq3A : i32
      %jit3A_528 = arith.constant 1 : i32
      %select_n3A_529 = arith.select %eq3A_527, %jit3A_528, %jit3A_526 : i32
      %rem3A_530 = arith.remsi %scan3A_509, %select_n3A_529 : i32
      %ne3A_531 = arith.constant 0 : i32
      %ne3A_532 = arith.cmpi ne, %rem3A_530, %ne3A_531 : i32
      %lt3A = arith.constant 0 : i32
      %lt3A_533 = arith.cmpi slt, %rem3A_530, %lt3A : i32
      %lt3A_534 = arith.constant 0 : i32
      %lt3A_535 = arith.cmpi slt, %select_n3A_529, %lt3A_534 : i32
      %ne3A_536 = arith.xori %lt3A_533, %lt3A_535 : i1
      %and3A_537 = arith.andi %ne3A_536, %ne3A_532 : i1
      %add3A_538 = arith.addi %rem3A_530, %select_n3A_529 : i32
      %select_n3A_539 = arith.select %and3A_537, %add3A_538, %rem3A_530 : i32
      %get3A = arith.index_cast %select_n3A : i32 to index
      %get3A_540 = arith.index_cast %select_n3A_539 : i32 to index
      %get3A_541 = memref.load %arg31[%get3A, %get3A_540] : memref<4x128xi32, #tpu.memory_space<smem>>
      %gt3A = arith.constant 0 : i32
      %gt3A_542 = arith.cmpi sgt, %get3A_541, %gt3A : i32
      %convert_element_type3A = arith.extui %gt3A_542 : i1 to i32
      %cond3A = arith.constant 0 : i32
      %cond3A_543 = arith.cmpi ne, %convert_element_type3A, %cond3A : i32
      scf.if %cond3A_543 {
        %sub3A_548 = arith.constant 1 : i32
        %sub3A_549 = arith.subi %get3A_541, %sub3A_548 : i32
        %dma_start3A_550 = arith.constant 0 : i32
        %dma_start3A_551 = tpu.memref_slice %arg22[%scan3A_509, %dma_start3A_550] : memref<512x64xf32, #tpu.memory_space<vmem>> -> memref<1x64xf32, #tpu.memory_space<vmem>>
        %dma_start3A_552 = arith.constant 0 : i32
        %dma_start3A_553 = tpu.memref_slice %arg9[%sub3A_549, %dma_start3A_552] : memref<16384x64xf32, #tpu.memory_space<hbm>> -> memref<1x64xf32, #tpu.memory_space<hbm>>
        %dma_start3A_554 = arith.constant 0 : i32
        %dma_start3A_555 = tpu.memref_slice %arg22[%scan3A_509, %dma_start3A_554] : memref<512x64xf32, #tpu.memory_space<vmem>> -> memref<1x64xf32, #tpu.memory_space<vmem>>
        %dma_start3A_556 = arith.constant 0 : i32
        %dma_start3A_557 = tpu.memref_slice %arg9[%sub3A_549, %dma_start3A_556] : memref<16384x64xf32, #tpu.memory_space<hbm>> -> memref<1x64xf32, #tpu.memory_space<hbm>>
        tpu.enqueue_dma source(%dma_start3A_557 : memref<1x64xf32, #tpu.memory_space<hbm>>) target(%dma_start3A_555 : memref<1x64xf32, #tpu.memory_space<vmem>>) target_semaphore(%arg34 : memref<!tpu.dma_semaphore, #tpu.memory_space<semaphore_mem>>)
        %sub3A_558 = arith.constant 1 : i32
        %sub3A_559 = arith.subi %get3A_541, %sub3A_558 : i32
        %dma_start3A_560 = arith.constant 0 : i32
        %dma_start3A_561 = tpu.memref_slice %arg23[%scan3A_509, %dma_start3A_560] : memref<512x64xf32, #tpu.memory_space<vmem>> -> memref<1x64xf32, #tpu.memory_space<vmem>>
        %dma_start3A_562 = arith.constant 0 : i32
        %dma_start3A_563 = tpu.memref_slice %arg10[%sub3A_559, %dma_start3A_562] : memref<16384x64xf32, #tpu.memory_space<hbm>> -> memref<1x64xf32, #tpu.memory_space<hbm>>
        %dma_start3A_564 = arith.constant 0 : i32
        %dma_start3A_565 = tpu.memref_slice %arg23[%scan3A_509, %dma_start3A_564] : memref<512x64xf32, #tpu.memory_space<vmem>> -> memref<1x64xf32, #tpu.memory_space<vmem>>
        %dma_start3A_566 = arith.constant 0 : i32
        %dma_start3A_567 = tpu.memref_slice %arg10[%sub3A_559, %dma_start3A_566] : memref<16384x64xf32, #tpu.memory_space<hbm>> -> memref<1x64xf32, #tpu.memory_space<hbm>>
        tpu.enqueue_dma source(%dma_start3A_567 : memref<1x64xf32, #tpu.memory_space<hbm>>) target(%dma_start3A_565 : memref<1x64xf32, #tpu.memory_space<vmem>>) target_semaphore(%arg34 : memref<!tpu.dma_semaphore, #tpu.memory_space<semaphore_mem>>)
      } else {
      }
      %le3A = arith.constant 0 : i32
      %le3A_544 = arith.cmpi sle, %get3A_541, %le3A : i32
      %convert_element_type3A_545 = arith.extui %le3A_544 : i1 to i32
      %cond3A_546 = arith.constant 0 : i32
      %cond3A_547 = arith.cmpi ne, %convert_element_type3A_545, %cond3A_546 : i32
      scf.if %cond3A_547 {
        %get3A_548 = arith.index_cast %select_n3A : i32 to index
        %get3A_549 = arith.index_cast %select_n3A_539 : i32 to index
        %get3A_550 = memref.load %arg30[%get3A_548, %get3A_549] : memref<4x128xi32, #tpu.memory_space<smem>>
        %dma_start3A_551 = arith.constant 0 : i32
        %dma_start3A_552 = tpu.memref_slice %arg22[%scan3A_509, %dma_start3A_551] : memref<512x64xf32, #tpu.memory_space<vmem>> -> memref<1x64xf32, #tpu.memory_space<vmem>>
        %dma_start3A_553 = arith.constant 0 : i32
        %dma_start3A_554 = tpu.memref_slice %arg4[%get3A_550, %dma_start3A_553] : memref<1000000x64xf32, #tpu.memory_space<hbm>> -> memref<1x64xf32, #tpu.memory_space<hbm>>
        %dma_start3A_555 = arith.constant 0 : i32
        %dma_start3A_556 = tpu.memref_slice %arg22[%scan3A_509, %dma_start3A_555] : memref<512x64xf32, #tpu.memory_space<vmem>> -> memref<1x64xf32, #tpu.memory_space<vmem>>
        %dma_start3A_557 = arith.constant 0 : i32
        %dma_start3A_558 = tpu.memref_slice %arg4[%get3A_550, %dma_start3A_557] : memref<1000000x64xf32, #tpu.memory_space<hbm>> -> memref<1x64xf32, #tpu.memory_space<hbm>>
        tpu.enqueue_dma source(%dma_start3A_558 : memref<1x64xf32, #tpu.memory_space<hbm>>) target(%dma_start3A_556 : memref<1x64xf32, #tpu.memory_space<vmem>>) target_semaphore(%arg34 : memref<!tpu.dma_semaphore, #tpu.memory_space<semaphore_mem>>)
        %dma_start3A_559 = arith.constant 0 : i32
        %dma_start3A_560 = tpu.memref_slice %arg23[%scan3A_509, %dma_start3A_559] : memref<512x64xf32, #tpu.memory_space<vmem>> -> memref<1x64xf32, #tpu.memory_space<vmem>>
        %dma_start3A_561 = arith.constant 0 : i32
        %dma_start3A_562 = tpu.memref_slice %arg5[%get3A_550, %dma_start3A_561] : memref<1000000x64xf32, #tpu.memory_space<hbm>> -> memref<1x64xf32, #tpu.memory_space<hbm>>
        %dma_start3A_563 = arith.constant 0 : i32
        %dma_start3A_564 = tpu.memref_slice %arg23[%scan3A_509, %dma_start3A_563] : memref<512x64xf32, #tpu.memory_space<vmem>> -> memref<1x64xf32, #tpu.memory_space<vmem>>
        %dma_start3A_565 = arith.constant 0 : i32
        %dma_start3A_566 = tpu.memref_slice %arg5[%get3A_550, %dma_start3A_565] : memref<1000000x64xf32, #tpu.memory_space<hbm>> -> memref<1x64xf32, #tpu.memory_space<hbm>>
        tpu.enqueue_dma source(%dma_start3A_566 : memref<1x64xf32, #tpu.memory_space<hbm>>) target(%dma_start3A_564 : memref<1x64xf32, #tpu.memory_space<vmem>>) target_semaphore(%arg34 : memref<!tpu.dma_semaphore, #tpu.memory_space<semaphore_mem>>)
      } else {
      }
    }
    %scan3A_298 = arith.constant 512 : i32
    %dma_wait3A_299 = arith.constant 0 : i32
    %dma_wait3A_300 = arith.constant 0 : i32
    %dma_wait3A_301 = tpu.memref_slice %arg24[%dma_wait3A_300] : memref<512xi32, #tpu.memory_space<vmem>> -> memref<128xi32, #tpu.memory_space<vmem>>
    %dma_wait3A_302 = arith.constant 0 : i32
    %dma_wait3A_303 = tpu.memref_slice %arg19[%dma_wait3A_299, %dma_wait3A_302] : memref<4x128xi32, #tpu.memory_space<vmem>> -> memref<1x128xi32, #tpu.memory_space<vmem>>
    %dma_wait3A_304 = tpu.memref_squeeze %dma_wait3A_303 : memref<1x128xi32, #tpu.memory_space<vmem>> -> memref<128xi32, #tpu.memory_space<vmem>>
    %dma_wait3A_305 = arith.constant 0 : i32
    %dma_wait3A_306 = tpu.memref_slice %arg6[%dma_wait3A_305] : memref<1000000xi32, #tpu.memory_space<hbm>> -> memref<1000000xi32, #tpu.memory_space<hbm>>
    tpu.wait_indirect_dma semaphore(%arg33 : memref<!tpu.dma_semaphore, #tpu.memory_space<semaphore_mem>>) src(%dma_wait3A_306 : memref<1000000xi32, #tpu.memory_space<hbm>>) dst(%dma_wait3A_301 : memref<128xi32, #tpu.memory_space<vmem>>)
    %dma_wait3A_307 = arith.constant 0 : i32
    %dma_wait3A_308 = arith.constant 0 : i32
    %dma_wait3A_309 = tpu.memref_slice %arg25[%dma_wait3A_308] : memref<512xi32, #tpu.memory_space<vmem>> -> memref<128xi32, #tpu.memory_space<vmem>>
    %dma_wait3A_310 = arith.constant 0 : i32
    %dma_wait3A_311 = tpu.memref_slice %arg21[%dma_wait3A_307, %dma_wait3A_310] : memref<4x128xi32, #tpu.memory_space<vmem>> -> memref<1x128xi32, #tpu.memory_space<vmem>>
    %dma_wait3A_312 = tpu.memref_squeeze %dma_wait3A_311 : memref<1x128xi32, #tpu.memory_space<vmem>> -> memref<128xi32, #tpu.memory_space<vmem>>
    %dma_wait3A_313 = arith.constant 0 : i32
    %dma_wait3A_314 = tpu.memref_slice %arg11[%dma_wait3A_313] : memref<16384xi32, #tpu.memory_space<hbm>> -> memref<16384xi32, #tpu.memory_space<hbm>>
    tpu.wait_indirect_dma semaphore(%arg33 : memref<!tpu.dma_semaphore, #tpu.memory_space<semaphore_mem>>) src(%dma_wait3A_314 : memref<16384xi32, #tpu.memory_space<hbm>>) dst(%dma_wait3A_309 : memref<128xi32, #tpu.memory_space<vmem>>)
    %dma_wait3A_315 = arith.constant 0 : i32
    %dma_wait3A_316 = arith.constant 0 : i32
    %dma_wait3A_317 = tpu.memref_slice %arg26[%dma_wait3A_316] : memref<512xf32, #tpu.memory_space<vmem>> -> memref<128xf32, #tpu.memory_space<vmem>>
    %dma_wait3A_318 = arith.constant 0 : i32
    %dma_wait3A_319 = tpu.memref_slice %arg19[%dma_wait3A_315, %dma_wait3A_318] : memref<4x128xi32, #tpu.memory_space<vmem>> -> memref<1x128xi32, #tpu.memory_space<vmem>>
    %dma_wait3A_320 = tpu.memref_squeeze %dma_wait3A_319 : memref<1x128xi32, #tpu.memory_space<vmem>> -> memref<128xi32, #tpu.memory_space<vmem>>
    %dma_wait3A_321 = arith.constant 0 : i32
    %dma_wait3A_322 = tpu.memref_slice %arg7[%dma_wait3A_321] : memref<1000000xf32, #tpu.memory_space<hbm>> -> memref<1000000xf32, #tpu.memory_space<hbm>>
    tpu.wait_indirect_dma semaphore(%arg33 : memref<!tpu.dma_semaphore, #tpu.memory_space<semaphore_mem>>) src(%dma_wait3A_322 : memref<1000000xf32, #tpu.memory_space<hbm>>) dst(%dma_wait3A_317 : memref<128xf32, #tpu.memory_space<vmem>>)
    %dma_wait3A_323 = arith.constant 0 : i32
    %dma_wait3A_324 = arith.constant 0 : i32
    %dma_wait3A_325 = tpu.memref_slice %arg27[%dma_wait3A_324] : memref<512xf32, #tpu.memory_space<vmem>> -> memref<128xf32, #tpu.memory_space<vmem>>
    %dma_wait3A_326 = arith.constant 0 : i32
    %dma_wait3A_327 = tpu.memref_slice %arg21[%dma_wait3A_323, %dma_wait3A_326] : memref<4x128xi32, #tpu.memory_space<vmem>> -> memref<1x128xi32, #tpu.memory_space<vmem>>
    %dma_wait3A_328 = tpu.memref_squeeze %dma_wait3A_327 : memref<1x128xi32, #tpu.memory_space<vmem>> -> memref<128xi32, #tpu.memory_space<vmem>>
    %dma_wait3A_329 = arith.constant 0 : i32
    %dma_wait3A_330 = tpu.memref_slice %arg12[%dma_wait3A_329] : memref<16384xf32, #tpu.memory_space<hbm>> -> memref<16384xf32, #tpu.memory_space<hbm>>
    tpu.wait_indirect_dma semaphore(%arg33 : memref<!tpu.dma_semaphore, #tpu.memory_space<semaphore_mem>>) src(%dma_wait3A_330 : memref<16384xf32, #tpu.memory_space<hbm>>) dst(%dma_wait3A_325 : memref<128xf32, #tpu.memory_space<vmem>>)
    %dma_wait3A_331 = arith.constant 0 : i32
    %dma_wait3A_332 = arith.constant 0 : i32
    %dma_wait3A_333 = tpu.memref_slice %arg28[%dma_wait3A_332] : memref<512xf32, #tpu.memory_space<vmem>> -> memref<128xf32, #tpu.memory_space<vmem>>
    %dma_wait3A_334 = arith.constant 0 : i32
    %dma_wait3A_335 = tpu.memref_slice %arg19[%dma_wait3A_331, %dma_wait3A_334] : memref<4x128xi32, #tpu.memory_space<vmem>> -> memref<1x128xi32, #tpu.memory_space<vmem>>
    %dma_wait3A_336 = tpu.memref_squeeze %dma_wait3A_335 : memref<1x128xi32, #tpu.memory_space<vmem>> -> memref<128xi32, #tpu.memory_space<vmem>>
    %dma_wait3A_337 = arith.constant 0 : i32
    %dma_wait3A_338 = tpu.memref_slice %arg8[%dma_wait3A_337] : memref<1000000xf32, #tpu.memory_space<hbm>> -> memref<1000000xf32, #tpu.memory_space<hbm>>
    tpu.wait_indirect_dma semaphore(%arg33 : memref<!tpu.dma_semaphore, #tpu.memory_space<semaphore_mem>>) src(%dma_wait3A_338 : memref<1000000xf32, #tpu.memory_space<hbm>>) dst(%dma_wait3A_333 : memref<128xf32, #tpu.memory_space<vmem>>)
    %dma_wait3A_339 = arith.constant 0 : i32
    %dma_wait3A_340 = arith.constant 0 : i32
    %dma_wait3A_341 = tpu.memref_slice %arg29[%dma_wait3A_340] : memref<512xf32, #tpu.memory_space<vmem>> -> memref<128xf32, #tpu.memory_space<vmem>>
    %dma_wait3A_342 = arith.constant 0 : i32
    %dma_wait3A_343 = tpu.memref_slice %arg21[%dma_wait3A_339, %dma_wait3A_342] : memref<4x128xi32, #tpu.memory_space<vmem>> -> memref<1x128xi32, #tpu.memory_space<vmem>>
    %dma_wait3A_344 = tpu.memref_squeeze %dma_wait3A_343 : memref<1x128xi32, #tpu.memory_space<vmem>> -> memref<128xi32, #tpu.memory_space<vmem>>
    %dma_wait3A_345 = arith.constant 0 : i32
    %dma_wait3A_346 = tpu.memref_slice %arg13[%dma_wait3A_345] : memref<16384xf32, #tpu.memory_space<hbm>> -> memref<16384xf32, #tpu.memory_space<hbm>>
    tpu.wait_indirect_dma semaphore(%arg33 : memref<!tpu.dma_semaphore, #tpu.memory_space<semaphore_mem>>) src(%dma_wait3A_346 : memref<16384xf32, #tpu.memory_space<hbm>>) dst(%dma_wait3A_341 : memref<128xf32, #tpu.memory_space<vmem>>)
    %dma_wait3A_347 = arith.constant 1 : i32
    %dma_wait3A_348 = arith.constant 128 : i32
    %dma_wait3A_349 = tpu.memref_slice %arg24[%dma_wait3A_348] : memref<512xi32, #tpu.memory_space<vmem>> -> memref<128xi32, #tpu.memory_space<vmem>>
    %dma_wait3A_350 = arith.constant 0 : i32
    %dma_wait3A_351 = tpu.memref_slice %arg19[%dma_wait3A_347, %dma_wait3A_350] : memref<4x128xi32, #tpu.memory_space<vmem>> -> memref<1x128xi32, #tpu.memory_space<vmem>>
    %dma_wait3A_352 = tpu.memref_squeeze %dma_wait3A_351 : memref<1x128xi32, #tpu.memory_space<vmem>> -> memref<128xi32, #tpu.memory_space<vmem>>
    %dma_wait3A_353 = arith.constant 0 : i32
    %dma_wait3A_354 = tpu.memref_slice %arg6[%dma_wait3A_353] : memref<1000000xi32, #tpu.memory_space<hbm>> -> memref<1000000xi32, #tpu.memory_space<hbm>>
    tpu.wait_indirect_dma semaphore(%arg33 : memref<!tpu.dma_semaphore, #tpu.memory_space<semaphore_mem>>) src(%dma_wait3A_354 : memref<1000000xi32, #tpu.memory_space<hbm>>) dst(%dma_wait3A_349 : memref<128xi32, #tpu.memory_space<vmem>>)
    %dma_wait3A_355 = arith.constant 1 : i32
    %dma_wait3A_356 = arith.constant 128 : i32
    %dma_wait3A_357 = tpu.memref_slice %arg25[%dma_wait3A_356] : memref<512xi32, #tpu.memory_space<vmem>> -> memref<128xi32, #tpu.memory_space<vmem>>
    %dma_wait3A_358 = arith.constant 0 : i32
    %dma_wait3A_359 = tpu.memref_slice %arg21[%dma_wait3A_355, %dma_wait3A_358] : memref<4x128xi32, #tpu.memory_space<vmem>> -> memref<1x128xi32, #tpu.memory_space<vmem>>
    %dma_wait3A_360 = tpu.memref_squeeze %dma_wait3A_359 : memref<1x128xi32, #tpu.memory_space<vmem>> -> memref<128xi32, #tpu.memory_space<vmem>>
    %dma_wait3A_361 = arith.constant 0 : i32
    %dma_wait3A_362 = tpu.memref_slice %arg11[%dma_wait3A_361] : memref<16384xi32, #tpu.memory_space<hbm>> -> memref<16384xi32, #tpu.memory_space<hbm>>
    tpu.wait_indirect_dma semaphore(%arg33 : memref<!tpu.dma_semaphore, #tpu.memory_space<semaphore_mem>>) src(%dma_wait3A_362 : memref<16384xi32, #tpu.memory_space<hbm>>) dst(%dma_wait3A_357 : memref<128xi32, #tpu.memory_space<vmem>>)
    %dma_wait3A_363 = arith.constant 1 : i32
    %dma_wait3A_364 = arith.constant 128 : i32
    %dma_wait3A_365 = tpu.memref_slice %arg26[%dma_wait3A_364] : memref<512xf32, #tpu.memory_space<vmem>> -> memref<128xf32, #tpu.memory_space<vmem>>
    %dma_wait3A_366 = arith.constant 0 : i32
    %dma_wait3A_367 = tpu.memref_slice %arg19[%dma_wait3A_363, %dma_wait3A_366] : memref<4x128xi32, #tpu.memory_space<vmem>> -> memref<1x128xi32, #tpu.memory_space<vmem>>
    %dma_wait3A_368 = tpu.memref_squeeze %dma_wait3A_367 : memref<1x128xi32, #tpu.memory_space<vmem>> -> memref<128xi32, #tpu.memory_space<vmem>>
    %dma_wait3A_369 = arith.constant 0 : i32
    %dma_wait3A_370 = tpu.memref_slice %arg7[%dma_wait3A_369] : memref<1000000xf32, #tpu.memory_space<hbm>> -> memref<1000000xf32, #tpu.memory_space<hbm>>
    tpu.wait_indirect_dma semaphore(%arg33 : memref<!tpu.dma_semaphore, #tpu.memory_space<semaphore_mem>>) src(%dma_wait3A_370 : memref<1000000xf32, #tpu.memory_space<hbm>>) dst(%dma_wait3A_365 : memref<128xf32, #tpu.memory_space<vmem>>)
    %dma_wait3A_371 = arith.constant 1 : i32
    %dma_wait3A_372 = arith.constant 128 : i32
    %dma_wait3A_373 = tpu.memref_slice %arg27[%dma_wait3A_372] : memref<512xf32, #tpu.memory_space<vmem>> -> memref<128xf32, #tpu.memory_space<vmem>>
    %dma_wait3A_374 = arith.constant 0 : i32
    %dma_wait3A_375 = tpu.memref_slice %arg21[%dma_wait3A_371, %dma_wait3A_374] : memref<4x128xi32, #tpu.memory_space<vmem>> -> memref<1x128xi32, #tpu.memory_space<vmem>>
    %dma_wait3A_376 = tpu.memref_squeeze %dma_wait3A_375 : memref<1x128xi32, #tpu.memory_space<vmem>> -> memref<128xi32, #tpu.memory_space<vmem>>
    %dma_wait3A_377 = arith.constant 0 : i32
    %dma_wait3A_378 = tpu.memref_slice %arg12[%dma_wait3A_377] : memref<16384xf32, #tpu.memory_space<hbm>> -> memref<16384xf32, #tpu.memory_space<hbm>>
    tpu.wait_indirect_dma semaphore(%arg33 : memref<!tpu.dma_semaphore, #tpu.memory_space<semaphore_mem>>) src(%dma_wait3A_378 : memref<16384xf32, #tpu.memory_space<hbm>>) dst(%dma_wait3A_373 : memref<128xf32, #tpu.memory_space<vmem>>)
    %dma_wait3A_379 = arith.constant 1 : i32
    %dma_wait3A_380 = arith.constant 128 : i32
    %dma_wait3A_381 = tpu.memref_slice %arg28[%dma_wait3A_380] : memref<512xf32, #tpu.memory_space<vmem>> -> memref<128xf32, #tpu.memory_space<vmem>>
    %dma_wait3A_382 = arith.constant 0 : i32
    %dma_wait3A_383 = tpu.memref_slice %arg19[%dma_wait3A_379, %dma_wait3A_382] : memref<4x128xi32, #tpu.memory_space<vmem>> -> memref<1x128xi32, #tpu.memory_space<vmem>>
    %dma_wait3A_384 = tpu.memref_squeeze %dma_wait3A_383 : memref<1x128xi32, #tpu.memory_space<vmem>> -> memref<128xi32, #tpu.memory_space<vmem>>
    %dma_wait3A_385 = arith.constant 0 : i32
    %dma_wait3A_386 = tpu.memref_slice %arg8[%dma_wait3A_385] : memref<1000000xf32, #tpu.memory_space<hbm>> -> memref<1000000xf32, #tpu.memory_space<hbm>>
    tpu.wait_indirect_dma semaphore(%arg33 : memref<!tpu.dma_semaphore, #tpu.memory_space<semaphore_mem>>) src(%dma_wait3A_386 : memref<1000000xf32, #tpu.memory_space<hbm>>) dst(%dma_wait3A_381 : memref<128xf32, #tpu.memory_space<vmem>>)
    %dma_wait3A_387 = arith.constant 1 : i32
    %dma_wait3A_388 = arith.constant 128 : i32
    %dma_wait3A_389 = tpu.memref_slice %arg29[%dma_wait3A_388] : memref<512xf32, #tpu.memory_space<vmem>> -> memref<128xf32, #tpu.memory_space<vmem>>
    %dma_wait3A_390 = arith.constant 0 : i32
    %dma_wait3A_391 = tpu.memref_slice %arg21[%dma_wait3A_387, %dma_wait3A_390] : memref<4x128xi32, #tpu.memory_space<vmem>> -> memref<1x128xi32, #tpu.memory_space<vmem>>
    %dma_wait3A_392 = tpu.memref_squeeze %dma_wait3A_391 : memref<1x128xi32, #tpu.memory_space<vmem>> -> memref<128xi32, #tpu.memory_space<vmem>>
    %dma_wait3A_393 = arith.constant 0 : i32
    %dma_wait3A_394 = tpu.memref_slice %arg13[%dma_wait3A_393] : memref<16384xf32, #tpu.memory_space<hbm>> -> memref<16384xf32, #tpu.memory_space<hbm>>
    tpu.wait_indirect_dma semaphore(%arg33 : memref<!tpu.dma_semaphore, #tpu.memory_space<semaphore_mem>>) src(%dma_wait3A_394 : memref<16384xf32, #tpu.memory_space<hbm>>) dst(%dma_wait3A_389 : memref<128xf32, #tpu.memory_space<vmem>>)
    %dma_wait3A_395 = arith.constant 2 : i32
    %dma_wait3A_396 = arith.constant 256 : i32
    %dma_wait3A_397 = tpu.memref_slice %arg24[%dma_wait3A_396] : memref<512xi32, #tpu.memory_space<vmem>> -> memref<128xi32, #tpu.memory_space<vmem>>
    %dma_wait3A_398 = arith.constant 0 : i32
    %dma_wait3A_399 = tpu.memref_slice %arg19[%dma_wait3A_395, %dma_wait3A_398] : memref<4x128xi32, #tpu.memory_space<vmem>> -> memref<1x128xi32, #tpu.memory_space<vmem>>
    %dma_wait3A_400 = tpu.memref_squeeze %dma_wait3A_399 : memref<1x128xi32, #tpu.memory_space<vmem>> -> memref<128xi32, #tpu.memory_space<vmem>>
    %dma_wait3A_401 = arith.constant 0 : i32
    %dma_wait3A_402 = tpu.memref_slice %arg6[%dma_wait3A_401] : memref<1000000xi32, #tpu.memory_space<hbm>> -> memref<1000000xi32, #tpu.memory_space<hbm>>
    tpu.wait_indirect_dma semaphore(%arg33 : memref<!tpu.dma_semaphore, #tpu.memory_space<semaphore_mem>>) src(%dma_wait3A_402 : memref<1000000xi32, #tpu.memory_space<hbm>>) dst(%dma_wait3A_397 : memref<128xi32, #tpu.memory_space<vmem>>)
    %dma_wait3A_403 = arith.constant 2 : i32
    %dma_wait3A_404 = arith.constant 256 : i32
    %dma_wait3A_405 = tpu.memref_slice %arg25[%dma_wait3A_404] : memref<512xi32, #tpu.memory_space<vmem>> -> memref<128xi32, #tpu.memory_space<vmem>>
    %dma_wait3A_406 = arith.constant 0 : i32
    %dma_wait3A_407 = tpu.memref_slice %arg21[%dma_wait3A_403, %dma_wait3A_406] : memref<4x128xi32, #tpu.memory_space<vmem>> -> memref<1x128xi32, #tpu.memory_space<vmem>>
    %dma_wait3A_408 = tpu.memref_squeeze %dma_wait3A_407 : memref<1x128xi32, #tpu.memory_space<vmem>> -> memref<128xi32, #tpu.memory_space<vmem>>
    %dma_wait3A_409 = arith.constant 0 : i32
    %dma_wait3A_410 = tpu.memref_slice %arg11[%dma_wait3A_409] : memref<16384xi32, #tpu.memory_space<hbm>> -> memref<16384xi32, #tpu.memory_space<hbm>>
    tpu.wait_indirect_dma semaphore(%arg33 : memref<!tpu.dma_semaphore, #tpu.memory_space<semaphore_mem>>) src(%dma_wait3A_410 : memref<16384xi32, #tpu.memory_space<hbm>>) dst(%dma_wait3A_405 : memref<128xi32, #tpu.memory_space<vmem>>)
    %dma_wait3A_411 = arith.constant 2 : i32
    %dma_wait3A_412 = arith.constant 256 : i32
    %dma_wait3A_413 = tpu.memref_slice %arg26[%dma_wait3A_412] : memref<512xf32, #tpu.memory_space<vmem>> -> memref<128xf32, #tpu.memory_space<vmem>>
    %dma_wait3A_414 = arith.constant 0 : i32
    %dma_wait3A_415 = tpu.memref_slice %arg19[%dma_wait3A_411, %dma_wait3A_414] : memref<4x128xi32, #tpu.memory_space<vmem>> -> memref<1x128xi32, #tpu.memory_space<vmem>>
    %dma_wait3A_416 = tpu.memref_squeeze %dma_wait3A_415 : memref<1x128xi32, #tpu.memory_space<vmem>> -> memref<128xi32, #tpu.memory_space<vmem>>
    %dma_wait3A_417 = arith.constant 0 : i32
    %dma_wait3A_418 = tpu.memref_slice %arg7[%dma_wait3A_417] : memref<1000000xf32, #tpu.memory_space<hbm>> -> memref<1000000xf32, #tpu.memory_space<hbm>>
    tpu.wait_indirect_dma semaphore(%arg33 : memref<!tpu.dma_semaphore, #tpu.memory_space<semaphore_mem>>) src(%dma_wait3A_418 : memref<1000000xf32, #tpu.memory_space<hbm>>) dst(%dma_wait3A_413 : memref<128xf32, #tpu.memory_space<vmem>>)
    %dma_wait3A_419 = arith.constant 2 : i32
    %dma_wait3A_420 = arith.constant 256 : i32
    %dma_wait3A_421 = tpu.memref_slice %arg27[%dma_wait3A_420] : memref<512xf32, #tpu.memory_space<vmem>> -> memref<128xf32, #tpu.memory_space<vmem>>
    %dma_wait3A_422 = arith.constant 0 : i32
    %dma_wait3A_423 = tpu.memref_slice %arg21[%dma_wait3A_419, %dma_wait3A_422] : memref<4x128xi32, #tpu.memory_space<vmem>> -> memref<1x128xi32, #tpu.memory_space<vmem>>
    %dma_wait3A_424 = tpu.memref_squeeze %dma_wait3A_423 : memref<1x128xi32, #tpu.memory_space<vmem>> -> memref<128xi32, #tpu.memory_space<vmem>>
    %dma_wait3A_425 = arith.constant 0 : i32
    %dma_wait3A_426 = tpu.memref_slice %arg12[%dma_wait3A_425] : memref<16384xf32, #tpu.memory_space<hbm>> -> memref<16384xf32, #tpu.memory_space<hbm>>
    tpu.wait_indirect_dma semaphore(%arg33 : memref<!tpu.dma_semaphore, #tpu.memory_space<semaphore_mem>>) src(%dma_wait3A_426 : memref<16384xf32, #tpu.memory_space<hbm>>) dst(%dma_wait3A_421 : memref<128xf32, #tpu.memory_space<vmem>>)
    %dma_wait3A_427 = arith.constant 2 : i32
    %dma_wait3A_428 = arith.constant 256 : i32
    %dma_wait3A_429 = tpu.memref_slice %arg28[%dma_wait3A_428] : memref<512xf32, #tpu.memory_space<vmem>> -> memref<128xf32, #tpu.memory_space<vmem>>
    %dma_wait3A_430 = arith.constant 0 : i32
    %dma_wait3A_431 = tpu.memref_slice %arg19[%dma_wait3A_427, %dma_wait3A_430] : memref<4x128xi32, #tpu.memory_space<vmem>> -> memref<1x128xi32, #tpu.memory_space<vmem>>
    %dma_wait3A_432 = tpu.memref_squeeze %dma_wait3A_431 : memref<1x128xi32, #tpu.memory_space<vmem>> -> memref<128xi32, #tpu.memory_space<vmem>>
    %dma_wait3A_433 = arith.constant 0 : i32
    %dma_wait3A_434 = tpu.memref_slice %arg8[%dma_wait3A_433] : memref<1000000xf32, #tpu.memory_space<hbm>> -> memref<1000000xf32, #tpu.memory_space<hbm>>
    tpu.wait_indirect_dma semaphore(%arg33 : memref<!tpu.dma_semaphore, #tpu.memory_space<semaphore_mem>>) src(%dma_wait3A_434 : memref<1000000xf32, #tpu.memory_space<hbm>>) dst(%dma_wait3A_429 : memref<128xf32, #tpu.memory_space<vmem>>)
    %dma_wait3A_435 = arith.constant 2 : i32
    %dma_wait3A_436 = arith.constant 256 : i32
    %dma_wait3A_437 = tpu.memref_slice %arg29[%dma_wait3A_436] : memref<512xf32, #tpu.memory_space<vmem>> -> memref<128xf32, #tpu.memory_space<vmem>>
    %dma_wait3A_438 = arith.constant 0 : i32
    %dma_wait3A_439 = tpu.memref_slice %arg21[%dma_wait3A_435, %dma_wait3A_438] : memref<4x128xi32, #tpu.memory_space<vmem>> -> memref<1x128xi32, #tpu.memory_space<vmem>>
    %dma_wait3A_440 = tpu.memref_squeeze %dma_wait3A_439 : memref<1x128xi32, #tpu.memory_space<vmem>> -> memref<128xi32, #tpu.memory_space<vmem>>
    %dma_wait3A_441 = arith.constant 0 : i32
    %dma_wait3A_442 = tpu.memref_slice %arg13[%dma_wait3A_441] : memref<16384xf32, #tpu.memory_space<hbm>> -> memref<16384xf32, #tpu.memory_space<hbm>>
    tpu.wait_indirect_dma semaphore(%arg33 : memref<!tpu.dma_semaphore, #tpu.memory_space<semaphore_mem>>) src(%dma_wait3A_442 : memref<16384xf32, #tpu.memory_space<hbm>>) dst(%dma_wait3A_437 : memref<128xf32, #tpu.memory_space<vmem>>)
    %dma_wait3A_443 = arith.constant 3 : i32
    %dma_wait3A_444 = arith.constant 384 : i32
    %dma_wait3A_445 = tpu.memref_slice %arg24[%dma_wait3A_444] : memref<512xi32, #tpu.memory_space<vmem>> -> memref<128xi32, #tpu.memory_space<vmem>>
    %dma_wait3A_446 = arith.constant 0 : i32
    %dma_wait3A_447 = tpu.memref_slice %arg19[%dma_wait3A_443, %dma_wait3A_446] : memref<4x128xi32, #tpu.memory_space<vmem>> -> memref<1x128xi32, #tpu.memory_space<vmem>>
    %dma_wait3A_448 = tpu.memref_squeeze %dma_wait3A_447 : memref<1x128xi32, #tpu.memory_space<vmem>> -> memref<128xi32, #tpu.memory_space<vmem>>
    %dma_wait3A_449 = arith.constant 0 : i32
    %dma_wait3A_450 = tpu.memref_slice %arg6[%dma_wait3A_449] : memref<1000000xi32, #tpu.memory_space<hbm>> -> memref<1000000xi32, #tpu.memory_space<hbm>>
    tpu.wait_indirect_dma semaphore(%arg33 : memref<!tpu.dma_semaphore, #tpu.memory_space<semaphore_mem>>) src(%dma_wait3A_450 : memref<1000000xi32, #tpu.memory_space<hbm>>) dst(%dma_wait3A_445 : memref<128xi32, #tpu.memory_space<vmem>>)
    %dma_wait3A_451 = arith.constant 3 : i32
    %dma_wait3A_452 = arith.constant 384 : i32
    %dma_wait3A_453 = tpu.memref_slice %arg25[%dma_wait3A_452] : memref<512xi32, #tpu.memory_space<vmem>> -> memref<128xi32, #tpu.memory_space<vmem>>
    %dma_wait3A_454 = arith.constant 0 : i32
    %dma_wait3A_455 = tpu.memref_slice %arg21[%dma_wait3A_451, %dma_wait3A_454] : memref<4x128xi32, #tpu.memory_space<vmem>> -> memref<1x128xi32, #tpu.memory_space<vmem>>
    %dma_wait3A_456 = tpu.memref_squeeze %dma_wait3A_455 : memref<1x128xi32, #tpu.memory_space<vmem>> -> memref<128xi32, #tpu.memory_space<vmem>>
    %dma_wait3A_457 = arith.constant 0 : i32
    %dma_wait3A_458 = tpu.memref_slice %arg11[%dma_wait3A_457] : memref<16384xi32, #tpu.memory_space<hbm>> -> memref<16384xi32, #tpu.memory_space<hbm>>
    tpu.wait_indirect_dma semaphore(%arg33 : memref<!tpu.dma_semaphore, #tpu.memory_space<semaphore_mem>>) src(%dma_wait3A_458 : memref<16384xi32, #tpu.memory_space<hbm>>) dst(%dma_wait3A_453 : memref<128xi32, #tpu.memory_space<vmem>>)
    %dma_wait3A_459 = arith.constant 3 : i32
    %dma_wait3A_460 = arith.constant 384 : i32
    %dma_wait3A_461 = tpu.memref_slice %arg26[%dma_wait3A_460] : memref<512xf32, #tpu.memory_space<vmem>> -> memref<128xf32, #tpu.memory_space<vmem>>
    %dma_wait3A_462 = arith.constant 0 : i32
    %dma_wait3A_463 = tpu.memref_slice %arg19[%dma_wait3A_459, %dma_wait3A_462] : memref<4x128xi32, #tpu.memory_space<vmem>> -> memref<1x128xi32, #tpu.memory_space<vmem>>
    %dma_wait3A_464 = tpu.memref_squeeze %dma_wait3A_463 : memref<1x128xi32, #tpu.memory_space<vmem>> -> memref<128xi32, #tpu.memory_space<vmem>>
    %dma_wait3A_465 = arith.constant 0 : i32
    %dma_wait3A_466 = tpu.memref_slice %arg7[%dma_wait3A_465] : memref<1000000xf32, #tpu.memory_space<hbm>> -> memref<1000000xf32, #tpu.memory_space<hbm>>
    tpu.wait_indirect_dma semaphore(%arg33 : memref<!tpu.dma_semaphore, #tpu.memory_space<semaphore_mem>>) src(%dma_wait3A_466 : memref<1000000xf32, #tpu.memory_space<hbm>>) dst(%dma_wait3A_461 : memref<128xf32, #tpu.memory_space<vmem>>)
    %dma_wait3A_467 = arith.constant 3 : i32
    %dma_wait3A_468 = arith.constant 384 : i32
    %dma_wait3A_469 = tpu.memref_slice %arg27[%dma_wait3A_468] : memref<512xf32, #tpu.memory_space<vmem>> -> memref<128xf32, #tpu.memory_space<vmem>>
    %dma_wait3A_470 = arith.constant 0 : i32
    %dma_wait3A_471 = tpu.memref_slice %arg21[%dma_wait3A_467, %dma_wait3A_470] : memref<4x128xi32, #tpu.memory_space<vmem>> -> memref<1x128xi32, #tpu.memory_space<vmem>>
    %dma_wait3A_472 = tpu.memref_squeeze %dma_wait3A_471 : memref<1x128xi32, #tpu.memory_space<vmem>> -> memref<128xi32, #tpu.memory_space<vmem>>
    %dma_wait3A_473 = arith.constant 0 : i32
    %dma_wait3A_474 = tpu.memref_slice %arg12[%dma_wait3A_473] : memref<16384xf32, #tpu.memory_space<hbm>> -> memref<16384xf32, #tpu.memory_space<hbm>>
    tpu.wait_indirect_dma semaphore(%arg33 : memref<!tpu.dma_semaphore, #tpu.memory_space<semaphore_mem>>) src(%dma_wait3A_474 : memref<16384xf32, #tpu.memory_space<hbm>>) dst(%dma_wait3A_469 : memref<128xf32, #tpu.memory_space<vmem>>)
    %dma_wait3A_475 = arith.constant 3 : i32
    %dma_wait3A_476 = arith.constant 384 : i32
    %dma_wait3A_477 = tpu.memref_slice %arg28[%dma_wait3A_476] : memref<512xf32, #tpu.memory_space<vmem>> -> memref<128xf32, #tpu.memory_space<vmem>>
    %dma_wait3A_478 = arith.constant 0 : i32
    %dma_wait3A_479 = tpu.memref_slice %arg19[%dma_wait3A_475, %dma_wait3A_478] : memref<4x128xi32, #tpu.memory_space<vmem>> -> memref<1x128xi32, #tpu.memory_space<vmem>>
    %dma_wait3A_480 = tpu.memref_squeeze %dma_wait3A_479 : memref<1x128xi32, #tpu.memory_space<vmem>> -> memref<128xi32, #tpu.memory_space<vmem>>
    %dma_wait3A_481 = arith.constant 0 : i32
    %dma_wait3A_482 = tpu.memref_slice %arg8[%dma_wait3A_481] : memref<1000000xf32, #tpu.memory_space<hbm>> -> memref<1000000xf32, #tpu.memory_space<hbm>>
    tpu.wait_indirect_dma semaphore(%arg33 : memref<!tpu.dma_semaphore, #tpu.memory_space<semaphore_mem>>) src(%dma_wait3A_482 : memref<1000000xf32, #tpu.memory_space<hbm>>) dst(%dma_wait3A_477 : memref<128xf32, #tpu.memory_space<vmem>>)
    %dma_wait3A_483 = arith.constant 3 : i32
    %dma_wait3A_484 = arith.constant 384 : i32
    %dma_wait3A_485 = tpu.memref_slice %arg29[%dma_wait3A_484] : memref<512xf32, #tpu.memory_space<vmem>> -> memref<128xf32, #tpu.memory_space<vmem>>
    %dma_wait3A_486 = arith.constant 0 : i32
    %dma_wait3A_487 = tpu.memref_slice %arg21[%dma_wait3A_483, %dma_wait3A_486] : memref<4x128xi32, #tpu.memory_space<vmem>> -> memref<1x128xi32, #tpu.memory_space<vmem>>
    %dma_wait3A_488 = tpu.memref_squeeze %dma_wait3A_487 : memref<1x128xi32, #tpu.memory_space<vmem>> -> memref<128xi32, #tpu.memory_space<vmem>>
    %dma_wait3A_489 = arith.constant 0 : i32
    %dma_wait3A_490 = tpu.memref_slice %arg13[%dma_wait3A_489] : memref<16384xf32, #tpu.memory_space<hbm>> -> memref<16384xf32, #tpu.memory_space<hbm>>
    tpu.wait_indirect_dma semaphore(%arg33 : memref<!tpu.dma_semaphore, #tpu.memory_space<semaphore_mem>>) src(%dma_wait3A_490 : memref<16384xf32, #tpu.memory_space<hbm>>) dst(%dma_wait3A_485 : memref<128xf32, #tpu.memory_space<vmem>>)
    %iota3A = tpu.iota {dimensions = array<i32: 0>} : vector<16xi32>
    %scan3A_491 = arith.constant 0 : i32
    %scan3A_492 = arith.constant 0 : i32
    %scan3A_493 = arith.constant 32 : i32
    %scan3A_494 = arith.addi %scan3A_492, %scan3A_493 : i32
    %scan3A_495 = arith.constant 1 : i32
    scf.for %scan3A_509 = %scan3A_492 to %scan3A_494 step %scan3A_495  : i32 {
      %jit3A = arith.constant 8 : i32
      %div3A = arith.divsi %scan3A_509, %jit3A : i32
      %sign3A = arith.constant 0 : i32
      %sign3A_510 = arith.cmpi sgt, %scan3A_509, %sign3A : i32
      %sign3A_511 = arith.extui %sign3A_510 : i1 to i32
      %sign3A_512 = arith.constant 0 : i32
      %sign3A_513 = arith.cmpi slt, %scan3A_509, %sign3A_512 : i32
      %sign3A_514 = arith.extui %sign3A_513 : i1 to i32
      %sign3A_515 = arith.subi %sign3A_511, %sign3A_514 : i32
      %sign3A_516 = arith.constant 0 : i32
      %sign3A_517 = arith.cmpi sgt, %jit3A, %sign3A_516 : i32
      %sign3A_518 = arith.extui %sign3A_517 : i1 to i32
      %sign3A_519 = arith.constant 0 : i32
      %sign3A_520 = arith.cmpi slt, %jit3A, %sign3A_519 : i32
      %sign3A_521 = arith.extui %sign3A_520 : i1 to i32
      %sign3A_522 = arith.subi %sign3A_518, %sign3A_521 : i32
      %ne3A = arith.cmpi ne, %sign3A_515, %sign3A_522 : i32
      %rem3A = arith.remsi %scan3A_509, %jit3A : i32
      %ne3A_523 = arith.constant 0 : i32
      %ne3A_524 = arith.cmpi ne, %rem3A, %ne3A_523 : i32
      %and3A = arith.andi %ne3A, %ne3A_524 : i1
      %sub3A = arith.constant 1 : i32
      %sub3A_525 = arith.subi %div3A, %sub3A : i32
      %select_n3A = arith.select %and3A, %sub3A_525, %div3A : i32
      %jit3A_526 = arith.constant 8 : i32
      %eq3A = arith.constant 0 : i32
      %eq3A_527 = arith.cmpi eq, %jit3A_526, %eq3A : i32
      %jit3A_528 = arith.constant 1 : i32
      %select_n3A_529 = arith.select %eq3A_527, %jit3A_528, %jit3A_526 : i32
      %rem3A_530 = arith.remsi %scan3A_509, %select_n3A_529 : i32
      %ne3A_531 = arith.constant 0 : i32
      %ne3A_532 = arith.cmpi ne, %rem3A_530, %ne3A_531 : i32
      %lt3A = arith.constant 0 : i32
      %lt3A_533 = arith.cmpi slt, %rem3A_530, %lt3A : i32
      %lt3A_534 = arith.constant 0 : i32
      %lt3A_535 = arith.cmpi slt, %select_n3A_529, %lt3A_534 : i32
      %ne3A_536 = arith.xori %lt3A_533, %lt3A_535 : i1
      %and3A_537 = arith.andi %ne3A_536, %ne3A_532 : i1
      %add3A_538 = arith.addi %rem3A_530, %select_n3A_529 : i32
      %select_n3A_539 = arith.select %and3A_537, %add3A_538, %rem3A_530 : i32
      %mul3A_540 = arith.constant 16 : i32
      %mul3A_541 = arith.muli %select_n3A_539, %mul3A_540 : i32
      %get3A = arith.index_cast %select_n3A : i32 to index
      %get3A_542 = arith.index_cast %mul3A_541 : i32 to index
      %get3A_543 = tpu.vector_load %arg20[%get3A, %get3A_542] {strides = array<i32>} : memref<4x128xi32, #tpu.memory_space<vmem>>, vector<16xi32>,
      %gt3A = arith.constant 0 : i32
      %gt3A_544 = vector.broadcast %gt3A : i32 to vector<16xi32>
      %gt3A_545 = arith.cmpi sgt, %get3A_543, %gt3A_544 : vector<16xi32>
      %reduce_or3A = arith.constant 1.000000e+00 : f32
      %reduce_or3A_546 = arith.constant 0.000000e+00 : f32
      %reduce_or3A_547 = vector.broadcast %reduce_or3A : f32 to vector<16xf32>
      %reduce_or3A_548 = vector.broadcast %reduce_or3A_546 : f32 to vector<16xf32>
      %reduce_or3A_549 = arith.select %gt3A_545, %reduce_or3A_547, %reduce_or3A_548 : vector<16xi1>, vector<16xf32>
      %reduce_or3A_550 = arith.constant true
      %reduce_or3A_551 = vector.broadcast %reduce_or3A_550 : i1 to vector<16xi1>
      %reduce_or3A_552 = tpu.scan <max>, %reduce_or3A_549 masked %reduce_or3A_551 : vector<16xf32>, vector<16xi1> -> vector<16xf32>
      %reduce_or3A_553 = vector.extract %reduce_or3A_552[15] : f32 from vector<16xf32>
      %reduce_or3A_554 = arith.constant 0.000000e+00 : f32
      %reduce_or3A_555 = arith.cmpf ogt, %reduce_or3A_553, %reduce_or3A_554 : f32
      %convert_element_type3A = arith.extui %reduce_or3A_555 : i1 to i32
      %cond3A = arith.constant 0 : i32
      %cond3A_556 = arith.cmpi ne, %convert_element_type3A, %cond3A : i32
      scf.if %cond3A_556 {
        %mul3A_557 = arith.constant 16 : i32
        %mul3A_558 = arith.muli %scan3A_509, %mul3A_557 : i32
        %add3A_559 = vector.broadcast %mul3A_558 : i32 to vector<16xi32>
        %add3A_560 = arith.addi %add3A_559, %iota3A : vector<16xi32>
        %gather3A = tpu.vector_load_idx %arg25[%add3A_560] masked %gt3A_545 : memref<512xi32, #tpu.memory_space<vmem>>[vector<16xi32>], vector<16xi32>, vector<16xi1>
        tpu.vector_store_idx %arg24[%add3A_560], %gather3A masked %gt3A_545 : memref<512xi32, #tpu.memory_space<vmem>>[vector<16xi32>], vector<16xi32>, vector<16xi1>
        %gather3A_561 = tpu.vector_load_idx %arg27[%add3A_560] masked %gt3A_545 : memref<512xf32, #tpu.memory_space<vmem>>[vector<16xi32>], vector<16xf32>, vector<16xi1>
        tpu.vector_store_idx %arg26[%add3A_560], %gather3A_561 masked %gt3A_545 : memref<512xf32, #tpu.memory_space<vmem>>[vector<16xi32>], vector<16xf32>, vector<16xi1>
        %gather3A_562 = tpu.vector_load_idx %arg29[%add3A_560] masked %gt3A_545 : memref<512xf32, #tpu.memory_space<vmem>>[vector<16xi32>], vector<16xf32>, vector<16xi1>
        tpu.vector_store_idx %arg28[%add3A_560], %gather3A_562 masked %gt3A_545 : memref<512xf32, #tpu.memory_space<vmem>>[vector<16xi32>], vector<16xf32>, vector<16xi1>
      } else {
      }
    }
    %scan3A_496 = arith.constant 32 : i32
    %dma_wait3A_497 = arith.constant 0 : i32
    %dma_wait3A_498 = arith.constant 0 : i32
    %dma_wait3A_499 = tpu.memref_slice %arg4[%dma_wait3A_497, %dma_wait3A_498] : memref<1000000x64xf32, #tpu.memory_space<hbm>> -> memref<512x64xf32, #tpu.memory_space<hbm>>
    %dma_wait3A_500 = arith.constant 0 : i32
    %dma_wait3A_501 = arith.constant 0 : i32
    %dma_wait3A_502 = tpu.memref_slice %arg4[%dma_wait3A_500, %dma_wait3A_501] : memref<1000000x64xf32, #tpu.memory_space<hbm>> -> memref<512x64xf32, #tpu.memory_space<hbm>>
    tpu.wait_dma2 semaphore(%arg34 : memref<!tpu.dma_semaphore, #tpu.memory_space<semaphore_mem>>) src(%dma_wait3A_502 : memref<512x64xf32, #tpu.memory_space<hbm>>) dst(%arg22 : memref<512x64xf32, #tpu.memory_space<vmem>>)
    %dma_wait3A_503 = arith.constant 0 : i32
    %dma_wait3A_504 = arith.constant 0 : i32
    %dma_wait3A_505 = tpu.memref_slice %arg5[%dma_wait3A_503, %dma_wait3A_504] : memref<1000000x64xf32, #tpu.memory_space<hbm>> -> memref<512x64xf32, #tpu.memory_space<hbm>>
    %dma_wait3A_506 = arith.constant 0 : i32
    %dma_wait3A_507 = arith.constant 0 : i32
    %dma_wait3A_508 = tpu.memref_slice %arg5[%dma_wait3A_506, %dma_wait3A_507] : memref<1000000x64xf32, #tpu.memory_space<hbm>> -> memref<512x64xf32, #tpu.memory_space<hbm>>
    tpu.wait_dma2 semaphore(%arg34 : memref<!tpu.dma_semaphore, #tpu.memory_space<semaphore_mem>>) src(%dma_wait3A_508 : memref<512x64xf32, #tpu.memory_space<hbm>>) dst(%arg23 : memref<512x64xf32, #tpu.memory_space<vmem>>)
    "tpu.region"() ({
      %run_scoped3A_509 = tpu.sem_alloc : memref<!tpu.dma_semaphore, #tpu.memory_space<semaphore_mem>>
      %dma_start3A_510 = arith.constant 0 : i32
      %dma_start3A_511 = tpu.memref_slice %arg14[%mul3A_2, %dma_start3A_510] : memref<16384x64xf32, #tpu.memory_space<hbm>> -> memref<512x64xf32, #tpu.memory_space<hbm>>
      %dma_start3A_512 = arith.constant 0 : i32
      %dma_start3A_513 = tpu.memref_slice %arg14[%mul3A_2, %dma_start3A_512] : memref<16384x64xf32, #tpu.memory_space<hbm>> -> memref<512x64xf32, #tpu.memory_space<hbm>>
      tpu.enqueue_dma source(%arg22 : memref<512x64xf32, #tpu.memory_space<vmem>>) target(%dma_start3A_513 : memref<512x64xf32, #tpu.memory_space<hbm>>) target_semaphore(%run_scoped3A_509 : memref<!tpu.dma_semaphore, #tpu.memory_space<semaphore_mem>>)
      %dma_wait3A_514 = arith.constant 0 : i32
      %dma_wait3A_515 = tpu.memref_slice %arg14[%mul3A_2, %dma_wait3A_514] : memref<16384x64xf32, #tpu.memory_space<hbm>> -> memref<512x64xf32, #tpu.memory_space<hbm>>
      %dma_wait3A_516 = arith.constant 0 : i32
      %dma_wait3A_517 = tpu.memref_slice %arg14[%mul3A_2, %dma_wait3A_516] : memref<16384x64xf32, #tpu.memory_space<hbm>> -> memref<512x64xf32, #tpu.memory_space<hbm>>
      tpu.wait_dma2 semaphore(%run_scoped3A_509 : memref<!tpu.dma_semaphore, #tpu.memory_space<semaphore_mem>>) src(%arg22 : memref<512x64xf32, #tpu.memory_space<vmem>>) dst(%dma_wait3A_517 : memref<512x64xf32, #tpu.memory_space<hbm>>)
      tpu.yield
    }) : () -> ()
    "tpu.region"() ({
      %run_scoped3A_509 = tpu.sem_alloc : memref<!tpu.dma_semaphore, #tpu.memory_space<semaphore_mem>>
      %dma_start3A_510 = arith.constant 0 : i32
      %dma_start3A_511 = tpu.memref_slice %arg17[%mul3A_2, %dma_start3A_510] : memref<16384x64xf32, #tpu.memory_space<hbm>> -> memref<512x64xf32, #tpu.memory_space<hbm>>
      %dma_start3A_512 = arith.constant 0 : i32
      %dma_start3A_513 = tpu.memref_slice %arg17[%mul3A_2, %dma_start3A_512] : memref<16384x64xf32, #tpu.memory_space<hbm>> -> memref<512x64xf32, #tpu.memory_space<hbm>>
      tpu.enqueue_dma source(%arg23 : memref<512x64xf32, #tpu.memory_space<vmem>>) target(%dma_start3A_513 : memref<512x64xf32, #tpu.memory_space<hbm>>) target_semaphore(%run_scoped3A_509 : memref<!tpu.dma_semaphore, #tpu.memory_space<semaphore_mem>>)
      %dma_wait3A_514 = arith.constant 0 : i32
      %dma_wait3A_515 = tpu.memref_slice %arg17[%mul3A_2, %dma_wait3A_514] : memref<16384x64xf32, #tpu.memory_space<hbm>> -> memref<512x64xf32, #tpu.memory_space<hbm>>
      %dma_wait3A_516 = arith.constant 0 : i32
      %dma_wait3A_517 = tpu.memref_slice %arg17[%mul3A_2, %dma_wait3A_516] : memref<16384x64xf32, #tpu.memory_space<hbm>> -> memref<512x64xf32, #tpu.memory_space<hbm>>
      tpu.wait_dma2 semaphore(%run_scoped3A_509 : memref<!tpu.dma_semaphore, #tpu.memory_space<semaphore_mem>>) src(%arg23 : memref<512x64xf32, #tpu.memory_space<vmem>>) dst(%dma_wait3A_517 : memref<512x64xf32, #tpu.memory_space<hbm>>)
      tpu.yield
    }) : () -> ()
    "tpu.region"() ({
      %run_scoped3A_509 = tpu.sem_alloc : memref<!tpu.dma_semaphore, #tpu.memory_space<semaphore_mem>>
      %dma_start3A_510 = tpu.memref_slice %arg15[%mul3A_2] : memref<16384xi32, #tpu.memory_space<hbm>> -> memref<512xi32, #tpu.memory_space<hbm>>
      %dma_start3A_511 = tpu.memref_slice %arg15[%mul3A_2] : memref<16384xi32, #tpu.memory_space<hbm>> -> memref<512xi32, #tpu.memory_space<hbm>>
      tpu.enqueue_dma source(%arg24 : memref<512xi32, #tpu.memory_space<vmem>>) target(%dma_start3A_511 : memref<512xi32, #tpu.memory_space<hbm>>) target_semaphore(%run_scoped3A_509 : memref<!tpu.dma_semaphore, #tpu.memory_space<semaphore_mem>>)
      %dma_wait3A_512 = tpu.memref_slice %arg15[%mul3A_2] : memref<16384xi32, #tpu.memory_space<hbm>> -> memref<512xi32, #tpu.memory_space<hbm>>
      %dma_wait3A_513 = tpu.memref_slice %arg15[%mul3A_2] : memref<16384xi32, #tpu.memory_space<hbm>> -> memref<512xi32, #tpu.memory_space<hbm>>
      tpu.wait_dma2 semaphore(%run_scoped3A_509 : memref<!tpu.dma_semaphore, #tpu.memory_space<semaphore_mem>>) src(%arg24 : memref<512xi32, #tpu.memory_space<vmem>>) dst(%dma_wait3A_513 : memref<512xi32, #tpu.memory_space<hbm>>)
      tpu.yield
    }) : () -> ()
    "tpu.region"() ({
      %run_scoped3A_509 = tpu.sem_alloc : memref<!tpu.dma_semaphore, #tpu.memory_space<semaphore_mem>>
      %dma_start3A_510 = tpu.memref_slice %arg16[%mul3A_2] : memref<16384xf32, #tpu.memory_space<hbm>> -> memref<512xf32, #tpu.memory_space<hbm>>
      %dma_start3A_511 = tpu.memref_slice %arg16[%mul3A_2] : memref<16384xf32, #tpu.memory_space<hbm>> -> memref<512xf32, #tpu.memory_space<hbm>>
      tpu.enqueue_dma source(%arg26 : memref<512xf32, #tpu.memory_space<vmem>>) target(%dma_start3A_511 : memref<512xf32, #tpu.memory_space<hbm>>) target_semaphore(%run_scoped3A_509 : memref<!tpu.dma_semaphore, #tpu.memory_space<semaphore_mem>>)
      %dma_wait3A_512 = tpu.memref_slice %arg16[%mul3A_2] : memref<16384xf32, #tpu.memory_space<hbm>> -> memref<512xf32, #tpu.memory_space<hbm>>
      %dma_wait3A_513 = tpu.memref_slice %arg16[%mul3A_2] : memref<16384xf32, #tpu.memory_space<hbm>> -> memref<512xf32, #tpu.memory_space<hbm>>
      tpu.wait_dma2 semaphore(%run_scoped3A_509 : memref<!tpu.dma_semaphore, #tpu.memory_space<semaphore_mem>>) src(%arg26 : memref<512xf32, #tpu.memory_space<vmem>>) dst(%dma_wait3A_513 : memref<512xf32, #tpu.memory_space<hbm>>)
      tpu.yield
    }) : () -> ()
    "tpu.region"() ({
      %run_scoped3A_509 = tpu.sem_alloc : memref<!tpu.dma_semaphore, #tpu.memory_space<semaphore_mem>>
      %dma_start3A_510 = tpu.memref_slice %arg18[%mul3A_2] : memref<16384xf32, #tpu.memory_space<hbm>> -> memref<512xf32, #tpu.memory_space<hbm>>
      %dma_start3A_511 = tpu.memref_slice %arg18[%mul3A_2] : memref<16384xf32, #tpu.memory_space<hbm>> -> memref<512xf32, #tpu.memory_space<hbm>>
      tpu.enqueue_dma source(%arg28 : memref<512xf32, #tpu.memory_space<vmem>>) target(%dma_start3A_511 : memref<512xf32, #tpu.memory_space<hbm>>) target_semaphore(%run_scoped3A_509 : memref<!tpu.dma_semaphore, #tpu.memory_space<semaphore_mem>>)
      %dma_wait3A_512 = tpu.memref_slice %arg18[%mul3A_2] : memref<16384xf32, #tpu.memory_space<hbm>> -> memref<512xf32, #tpu.memory_space<hbm>>
      %dma_wait3A_513 = tpu.memref_slice %arg18[%mul3A_2] : memref<16384xf32, #tpu.memory_space<hbm>> -> memref<512xf32, #tpu.memory_space<hbm>>
      tpu.wait_dma2 semaphore(%run_scoped3A_509 : memref<!tpu.dma_semaphore, #tpu.memory_space<semaphore_mem>>) src(%arg28 : memref<512xf32, #tpu.memory_space<vmem>>) dst(%dma_wait3A_513 : memref<512xf32, #tpu.memory_space<hbm>>)
      tpu.yield
    }) : () -> ()
    return
  }
}

</mosaic_0001>

<sc_bundles>
// kernel: kernel.4.cloned.1.call-start
scs
__scs_entry_jumppad:
0x0: {  	(pc) =	sbr.rel $0x88, $3  }
0x1: {  	(tag) =	ssettag $0x0;
	lr =	simm.s32 $0x1  }
0x2: {  	[smem:$0x3F95] =	sst lr;
	_ =	strace $0xD0000000  }
0x3: {  	_ = 	snop  }
0x4: {  	_ = 	snop  }
0x5: {  	_ = 	snop  }
0x6: {  	_ = 	snop  }
0x7: {  	_ = 	snop  }
__scs_overlays_trampoline_lowered:
0x8: {  	[smem:$0x3FA4] =	sst s0  }
0x9: {  	[smem:$0x3FA5] =	sst s1  }
0xa: {  	[smem:$0x3FA6] =	sst s2  }
0xb: {  	[smem:$0x3FA7] =	sst s3  }
0xc: {  	[smem:$0x3FA8] =	sst s4  }
0xd: {  	[smem:$0x3FA9] =	sst s5  }
0xe: {  	[smem:$0x3FAA] =	sst s6  }
0xf: {  	[smem:$0x3FAB] =	sst s7  }
0x10: {  	[smem:$0x3FAC] =	sst s8  }
0x11: {  	[smem:$0x3FAD] =	sst s9;
	s0 =	simm.s32 @!p0 $0x0  }
0x12: {  	s1 =	sld [smem:$0x3F93];
	s0 =	simm.s32 @p0 $0x1  }
0x13: {  	[smem:$0x3FAE] =	sst s0;
	s0 =	simm.s32 @!p1 $0x0  }
0x14: {  	s2 =	sld [smem:$0x3F92];
	s0 =	simm.s32 @p1 $0x1  }
0x15: {  	[smem:$0x3FAF] =	sst s0;
	s0 =	simm.s32 @!p2 $0x0  }
0x16: {  	s3 =	sld [smem:$0x3FDB];
	s0 =	simm.s32 @p2 $0x1  }
0x17: {  	s4 =	simm.s32 $0x1BF5;
	[smem:$0x3FB1] =	sst s0  }
0x18: {  	s0 =	sld [smem:$0x3F94];
	_ =	swait.ge [sflag:s4], $0x0  }
0x19: {  	s7 =	sld [smem:$0x3F95]  }
0x1a: {  	s8 =	sadd.s32 $0xFFFFE003, lr  }
0x1b: {  	s9 =	sadd.s32 $0xFFFFFEF7, lr;
	s5 =	simm.s32 $0xFFFFFFFF;
	p2 =	slt.u32 s8, $0xFFFFF086  }
0x1c: {  	p1 =	slt.u32 s9, $0xF7A;
	s5 =	simm.s32 @!p2 $0x0  }
0x1d: {  	s5 =	simm.s32 @p1 $0x1;
	p0 =	seq.s32 s7, s2  }
0x1e: {  	s7 =	smul.u32 @!p0 $0xF7A, s2;
	p2 =	seq.s32 @!p0 s5, $0x0  }
0x1f: {  	s9 =	smul.u32 $0xF7A, s1;
	s8 =	simm.s32 @!p0 $0x1BF5;
	p2 =	por !p2, p0  }
0x20: {  	[sflag:s8] =	ssyncset.s32 @!p0 $0xFFFFF086;
	s6 =	sadd.s32 @!p0 s3, s7;
	s7 =	simm.s32 @!p0 $0x108  }
0x21: {  	s3 =	sadd.s32 s3, s9;
	s6 =	sadd.s32 @!p0 $0x88, s6;
	s7 =	simm.s32 @p2 $0x1082  }
0x22: {  	[simem:s7], [sflag:s8] =	dma.local @!p0 [hbm:s6], $0xF7A  }
0x23: {  	s9 =	sor.u32 $0xD0000000, s2;
	s6 =	simm.s32 $0x108;
	_ =	swait.ge @!p0 [sflag:s8], $0x0  }
0x24: {  	s3 =	sadd.s32 $0x88, s3;
	s6 =	simm.s32 @!p1 $0x1082;
	[sflag:s4] =	ssyncset.s32 $0xFFFFF086  }
0x25: {  	[simem:s6], [sflag:s4] =	dma.local [hbm:s3], $0xF7A  }
0x26: {  	[smem:$0x3F95] =	sst s1;
	(tag) =	ssettag s2;
	_ =	strace s9  }
0x27: {  	s1 =	sld [smem:$0x3FA5]  }
0x28: {  	s2 =	sld [smem:$0x3FA6]  }
0x29: {  	s4 =	sld [smem:$0x3FA8]  }
0x2a: {  	p0 =	seq.s32 s5, $0x0;
	s5 =	sld [smem:$0x3FA9]  }
0x2b: {  	s6 =	sld [smem:$0x3FAA]  }
0x2c: {  	s7 =	sld [smem:$0x3FAB]  }
0x2d: {  	s3 =	simm.s32 $0x108;
	s8 =	sld [smem:$0x3FAC]  }
0x2e: {  	s3 =	simm.s32 @!p0 $0x1082;
	s9 =	sld [smem:$0x3FAD]  }
0x2f: {  	lr =	sadd.s32 s0, s3;
	s0 =	sld [smem:$0x3FA4]  }
0x30: {  	s3 =	sld [smem:$0x3FA7]  }
0x31: {  	[smem:$0x3FB0] =	sst s10  }
0x32: {  	s10 =	sld [smem:$0x3FAE];
	_ =	sdelay $0x3  }
0x33: {  	p0 =	seq.s32 s10, $0x1;
	s10 =	sld [smem:$0x3FB0];
	_ =	sdelay $0x3  }
0x34: {  	[smem:$0x3FB0] =	sst s10  }
0x35: {  	s10 =	sld [smem:$0x3FAF];
	_ =	sdelay $0x3  }
0x36: {  	p1 =	seq.s32 s10, $0x1;
	s10 =	sld [smem:$0x3FB0];
	_ =	sdelay $0x3  }
0x37: {  	[smem:$0x3FB0] =	sst s10  }
0x38: {  	s10 =	sld [smem:$0x3FB1]  }
0x39: {  	_ = 	snop;
	(pc) =	sbr.ind lr, $3  }
0x3a: {  	_ = 	snop  }
0x3b: {  	_ = 	snop  }
0x3c: {  	p2 =	seq.s32 s10, $0x1;
	s10 =	sld [smem:$0x3FB0]  }
0x3d: {  	_ =	shalt  }
0x3e: {  	_ =	shalt  }
0x3f: {  	_ =	shalt  }
0x40: {  	_ =	shalt  }
0x41: {  	_ =	shalt  }
0x42: {  	_ =	shalt  }
0x43: {  	_ =	shalt  }
0x44: {  	_ =	shalt  }
0x45: {  	_ =	shalt  }
0x46: {  	_ =	shalt  }
0x47: {  	_ =	shalt  }
0x48: {  	_ =	shalt  }
0x49: {  	_ =	shalt  }
0x4a: {  	_ =	shalt  }
0x4b: {  	_ =	shalt  }
0x4c: {  	_ =	shalt  }
0x4d: {  	_ =	shalt  }
0x4e: {  	_ =	shalt  }
0x4f: {  	_ =	shalt  }
0x50: {  	_ =	shalt  }
0x51: {  	_ =	shalt  }
0x52: {  	_ =	shalt  }
0x53: {  	_ =	shalt  }
0x54: {  	_ =	shalt  }
0x55: {  	_ =	shalt  }
0x56: {  	_ =	shalt  }
0x57: {  	_ =	shalt  }
0x58: {  	_ =	shalt  }
0x59: {  	_ =	shalt  }
0x5a: {  	_ =	shalt  }
0x5b: {  	_ =	shalt  }
0x5c: {  	_ =	shalt  }
0x5d: {  	_ =	shalt  }
0x5e: {  	_ =	shalt  }
0x5f: {  	_ =	shalt  }
0x60: {  	_ =	shalt  }
0x61: {  	_ =	shalt  }
0x62: {  	_ =	shalt  }
0x63: {  	_ =	shalt  }
0x64: {  	_ =	shalt  }
0x65: {  	_ =	shalt  }
0x66: {  	_ =	shalt  }
0x67: {  	_ =	shalt  }
0x68: {  	_ =	shalt  }
0x69: {  	_ =	shalt  }
0x6a: {  	_ =	shalt  }
0x6b: {  	_ =	shalt  }
0x6c: {  	_ =	shalt  }
0x6d: {  	_ =	shalt  }
0x6e: {  	_ =	shalt  }
0x6f: {  	_ =	shalt  }
0x70: {  	_ =	shalt  }
0x71: {  	_ =	shalt  }
0x72: {  	_ =	shalt  }
0x73: {  	_ =	shalt  }
0x74: {  	_ =	shalt  }
0x75: {  	_ =	shalt  }
0x76: {  	_ =	shalt  }
0x77: {  	_ =	shalt  }
0x78: {  	_ =	shalt  }
0x79: {  	_ =	shalt  }
0x7a: {  	_ =	shalt  }
0x7b: {  	_ =	shalt  }
0x7c: {  	_ =	shalt  }
0x7d: {  	_ =	shalt  }
0x7e: {  	_ =	shalt  }
0x7f: {  	_ =	shalt  }
0x80: {  	_ =	shalt  }
0x81: {  	_ =	shalt  }
0x82: {  	_ =	shalt  }
0x83: {  	_ =	shalt  }
0x84: {  	_ =	shalt  }
0x85: {  	_ =	shalt  }
0x86: {  	_ =	shalt  }
0x87: {  	_ =	shalt  }
.Lfunc_end0:
.L_simem_size_0:
called_computation_lowered:
.L_overlay_start_0:
0x88: {  	s2 =	sld [smem:$0x3FD9]  }
0x89: {  	s3 =	sld [smem:$0x3FFE];
	_ =	sdelay $0x1  }
0x8a: {  	s1 =	srdreg.scid  }
0x8b: {  	s0 =	sand.u32 $0x1, s1  }
0x8c: {  	s17 =	sshll.u32 s0, $0xA;
	s2 =	sadd.s32 s3, s2  }
0x8d: {  	s2 =	sadd.s32 s2, s17  }
0x8e: {  	[smem:$0x3FBC] =	sst s2  }
0x8f: {  	_ = 	snop  }
0x90: {  	s2 =	sld [smem:$0x3FBF];
	(tm) =	ssettm $0x1  }
0x91: {  	s18 =	sld [smem:$0x3FFB];
	_ =	sdelay $0x3  }
0x92: {  	_ =	strace s18  }
0x93: {  	s3 =	sld [smem:$0x3FFC];
	_ =	sdelay $0x3  }
0x94: {  	_ =	strace s3  }
0x95: {  	s3 =	sld [smem:$0x3FFD];
	_ =	sdelay $0x3  }
0x96: {  	_ =	strace s3  }
0x97: {  	_ =	strace $0x8FFFFFFF  }
0x98: {  	s19 =	sld [smem:$0x3FDB];
	_ =	sdelay $0x1  }
0x99: {  	s4 =	simm.s32 $_scs_section_size  }
0x9a: {  	s5 =	simm.s32 $_size__tile_overlayer_lowered;
	s6 =	simm.s32 $_tile_overlayer_lowered  }
0x9b: {  	s22 =	simm.s32 $0x1BFF;
	s21 =	sshll.u32 s6, $0x1;
	s3 =	sadd.s32 s4, s19  }
0x9c: {  	s7 =	simm.s32 $0x0;
	s20 =	sshll.u32 s5, $0x1;
	s5 =	sadd.s32 s21, s3  }
0x9d: {  	[timem:s7], [sflag:s22] =	dma.local [hbm:s5], s20  }
0x9e: {  	_ =	swait.ge [sflag:s22], s20  }
0x9f: {  	s4 =	ssub.s32 $0x0, s20;
	[sflag:s22] =	ssyncset.done $0x0  }
0xa0: {  	[sflag:s22] =	ssyncadd.s32 s4;
	_ =	sdelay $0x1  }
0xa1: {  	s23 =	simm.s32 $0x1B8B  }
0xa2: {  	_ =	swait.ge [sflag:s23], $0x1  }
0xa3: {  	[sflag:s23] =	ssyncset.done $0x0  }
0xa4: {  	s25 =	simm.s32 $0x1B8E;
	s24 =	sld [smem:$0x3FFE];
	[sflag:s23] =	ssyncadd.s32 $0xFFFFFFFF  }
0xa5: {  	s26 =	simm.s32 $execute0_lowered;
	[smem:$0x3FD2] =	sst s25  }
0xa6: {  	s5 =	sshll.u32 s26, $0x1;
	_ =	strace $0x80000046;
	[dreg:$0x1] =	wrdreg $0xFFFFFFFF  }
0xa7: {  	s28 =	simm.s32 $_size_execute0_lowered;
	s3 =	sadd.s32 s3, s5;
	[dreg:$0x0] =	wrdreg $0x0  }
0xa8: {  	s5 =	sshll.u32 s28, $0x1;
	[dreg:$0x2] =	wrdreg s3  }
0xa9: {  	[dreg:$0x3] =	wrdreg s5  }
0xaa: {  	[dreg:$0x4] =	wrdreg $0xC0  }
0xab: {  	_ =	task [dreg:s7], $0x5FFFF  }
0xac: {  	[dreg:$0x1] =	wrdreg $0xFFFFFFFF  }
0xad: {  	[dreg:$0x0] =	wrdreg $0x60  }
0xae: {  	[dreg:$0x2] =	wrdreg s2  }
0xaf: {  	[dreg:$0x3] =	wrdreg s24  }
0xb0: {  	[dreg:$0x4] =	wrdreg $0x9  }
0xb1: {  	_ =	task.clear_ibuf [dreg:s7], $0x5FFFF;
	_ =	strace $0x90000046  }
0xb2: {  	s29 =	simm.s32 $0x9;
	_ =	strace $0x80000048  }
0xb3: {  	_ =	swait.ge [sflag:s29], $0x1  }
0xb4: {  	[sflag:s29] =	ssyncadd.s32 $0xFFFFFFFF  }
0xb5: {  	_ =	strace $0x90000048  }
0xb6: {  	_ =	sfence  }
0xb7: {  	s30 =	sld [smem:$0x0];
	_ =	sdelay $0x2  }
0xb8: {  	s31 =	sshll.u32 s1, $0xD;
	s1 =	sshrl.u32 s1, $0x2  }
0xb9: {  	s3 =	sand.u32 $0x4000, s31;
	s1 =	sadd.s32 s1, s30  }
0xba: {  	s0 =	sor.u32 s3, s0;
	s1 =	sshll.u32 s1, $0x11  }
0xbb: {  	s0 =	sor.u32 s1, s0  }
0xbc: {  	s0 =	sadd.s32 $0x8F2B, s0  }
0xbd: {  	[sflag:s0] =	ssyncadd.remote.s32 $0x1  }
0xbe: {  	_ =	sfence.sel $0xFFFF  }
0xbf: {  	[dreg:$0x0] =	wrdreg $0xFFFFFFFF;
	(pc) =	sbr.abs _section_cstart, $3  }
0xc0: {  	[dreg:$0x1] =	wrdreg $0xFFFFFFFF  }
0xc1: {  	_ =	task.clear_ibuf [dreg:s7], $0x2FFFF;
	_ =	strace $0x9FFFFFFF  }
0xc2: {  	(tm) =	ssettm $0x7FFFFFFF  }
0xc3: {  	_ =	shalt  }
tec
execute0_lowered:
.L_overlay_start_1:
0x0: {  	(tag) =	ssettag $0x1  }
0x1: {  	s1 =	srdreg.scid;
	s0 =	stileid.u32  }
0x2: {  	s4 =	sand.u32 $0x1, s1;
	s30 =	sshll.u32 s0, $0x1  }
0x3: {  	s2 =	rddreg [dreg:$0x0];
	s1 =	sor.u32 s4, s30  }
0x4: {  	s5 =	rddreg [dreg:$0x1];
	s3 =	simm.s32 $0x0;
	s6 =	smul.u32 $0x7A20, s1  }
.Ltmp0:
0x5: {  	[smem:$0x7FF] =	sst s3;
	s4 =	ssub.s32 $0x2, s4;
	(pc) =	sbr.rel .LBB2_1-.Ltmp0, $4  }
0x6: {  	s1 =	rddreg [dreg:$0x2];
	s8 =	sshrl.u32 s4, $0x1;
	_ =	strace $0x80000047  }
0x7: {  	s31 =	ssub.s32 s4, s8;
	s7 =	sshrl.u32 s6, $0x3;
	v0 =	vmov s6;
	s6 =	sadd.s32 $0x7A20, s6  }
0x8: {  	s8 =	simm.s32 $0x0;
	s5 =	sadd.s32 s7, s5;
	v1 =	vmov s6;
	s6 =	simm.s32 $0x7A20  }
0x9: {  	v2 =	vimm.s32 $0x0;
	v3 =	vlaneseq.u32;
	s7 =	simm.s32 $0x1;
	s4 =	sadd.s32 $0x800, s5;
	s5 =	smax.u32 s31, $0x1  }
.LBB2_8:
0xa: {  	s8 =	sadd.s32 $0x1, s8  }
0xb: {  	p0 =	sne.s32 s8, s5  }
.Ltmp1:
0xc: {  	_ = 	snop;
	(pc) =	sbr.rel @!p0 .LBB2_9-.Ltmp1, $4  }
0xd: {  	[hbm4b:s4+s3] =	stream.linear.scatter [tilespmem:s3], [sflag:$0x1], $0x7A20, $0x38;
	[tilespmem:$0xBA20] =	vst v63  }
0xe: {  	_ =	swait.ge [sflag:s7], $0x7A20  }
0xf: {  	[sflag:s7] =	ssyncset.done $0x0  }
0x10: {  	[sflag:s7] =	ssyncadd.s32 $0xFFFF85E0  }
.LBB2_1:
0x11: {  	s9 =	simm.s32 $0x80;
	s10 =	simm.s32 $0x0  }
.LBB2_2:
0x12: {  	p0 =	sne.s32 s9, $0x1E800;
	[tilespmem:s10+$0x0] =	vst v2;
	s11 =	smov.u32 s9;
	s9 =	sadd.s32 $0x80, s9  }
.Ltmp2:
0x13: {  	[tilespmem:s10+$0x10] =	vst v2;
	(pc) =	sbr.rel @p0 .LBB2_2-.Ltmp2, $2  }
0x14: {  	_ =	sdelay $0x2  }
0x15: {  	s10 =	sshra.s32 s11, $0x2  }
0x16: {  	[tilespmem:s10+$0x0] =	vst v2  }
.Ltmp3:
0x17: {  	[tilespmem:s10+$0x10] =	vst v2;
	s9 =	simm.s32 $0x0;
	(pc) =	sbr.rel .LBB2_4-.Ltmp3, $4  }
0x18: {  	[tilespmem:s6], [sflag:$0x1] =	stream.linear.gather [hbm4b:s2+s9], $0x4000, $0x38;
	[tilespmem:$0xBA20] =	vst v63  }
0x19: {  	_ =	swait.ge [sflag:s7], $0x4000  }
0x1a: {  	[sflag:s7] =	ssyncset.done $0x0  }
0x1b: {  	[sflag:s7] =	ssyncadd.s32 $0xFFFFC000  }
.LBB2_7:
0x1c: {  	s9 =	sadd.s32 $0x1, s9  }
0x1d: {  	p0 =	sne.s32 s9, $0x400  }
.Ltmp4:
0x1e: {  	_ = 	snop;
	(pc) =	sbr.rel @!p0 .LBB2_8-.Ltmp4, $1  }
0x1f: {  	_ =	sdelay $0x3  }
.LBB2_4:
0x20: {  	s10 =	sshll.u32 s9, $0x4  }
0x21: {  	v4 =	vld [tilespmem:s10+$0x7A20];
	_ =	sdelay $0x4  }
0x22: {  	vm0 =	vge.s32 v4, v0;
	vm1 =	vlt.s32 v4, v1  }
0x23: {  	vm0 =	vmand vm0, vm1  }
0x24: {  	v5 =	vsel vm0, $0x1, v2  }
0x25: {  	(xrf0) =	vadd.scan.msk.s32 $0xffff, v5;
	_ =	sdelay $0x5  }
0x26: {  	v5, _, _ =	vpop (xrf0)  }
0x27: {  	(v2sf) =	vpush v5, $0xF;
	_ =	sdelay $0xe  }
0x28: {  	s11 =	spop (v2sf)  }
0x29: {  	p0 =	slt.s32 s11, $0x1  }
.Ltmp5:
0x2a: {  	_ = 	snop;
	(pc) =	sbr.rel @p0 .LBB2_7-.Ltmp5, $1  }
0x2b: {  	_ =	sdelay $0x3  }
0x2c: {  	v5 =	vsub.s32 v4, v0  }
0x2d: {  	v6 =	vand.u32 $0x7, v4;
	v5 =	vand.u32 $0xFFFFFFF8, v5  }
0x2e: {  	v5 =	vor.u32 v6, v5;
	_ =	sdelay $0x2  }
0x2f: {  	s10 =	sor.u32 $0x1, s10  }
0x30: {  	v4 =	vadd.s32 s10, v3  }
.LBB2_6:
0x31: {  	[tilespmem:v5+s3+$0x0] =	vst.idx.msk vm0, v4  }
0x32: {  	v6 =	vld.idx.msk [tilespmem:v5+s3+$0x0], vm0;
	_ =	sdelay $0x4  }
0x33: {  	vm1 =	vlt.s32 v6, v4  }
0x34: {  	vm0 =	vmand vm0, vm1  }
0x35: {  	v6 =	vsel vm0, $0x1, v2  }
0x36: {  	(xrf0) =	vadd.scan.msk.s32 $0xffff, v6;
	_ =	sdelay $0x5  }
0x37: {  	v6, _, _ =	vpop (xrf0)  }
0x38: {  	(v2sf) =	vpush v6, $0xF;
	_ =	sdelay $0xe  }
0x39: {  	s10 =	spop (v2sf)  }
0x3a: {  	p0 =	sgt.s32 s10, $0x0  }
.Ltmp6:
0x3b: {  	_ = 	snop;
	(pc) =	sbr.rel @p0 .LBB2_6-.Ltmp6, $1  }
0x3c: {  	_ =	sdelay $0x3  }
.Ltmp7:
0x3d: {  	_ = 	snop;
	(pc) =	sbr.rel .LBB2_7-.Ltmp7, $1  }
0x3e: {  	_ =	sdelay $0x3  }
.LBB2_9:
0x3f: {  	_ =	sfence.sel $0x180000  }
0x40: {  	[bflag:$0x0] =	sbarrier.arrive $0xFFFF  }
0x41: {  	p0 =	sne.s32 s0, $0x0;
	_ =	strace $0x90000047  }
0x42: {  	s0 =	sadd.s32 @!p0 $0x100000, s1;
	[bflag:$0x2] =	sbarrier.arrive $0xFFFF  }
0x43: {  	[sflag:s0] =	ssyncadd.tile.s32 @!p0 $0x1;
	_ =	shalt  }
.Lfunc_end2:
_tile_overlayer_lowered:
.L_overlay_start_2:
0x44: {  	(tag) =	ssettag $0x2  }
0x45: {  	s0 =	rddreg [dreg:$0x0];
	s2 =	stileid.u32  }
0x46: {  	s1 =	rddreg [dreg:$0x1];
	p0 =	sne.s32 s2, $0x0  }
0x47: {  	s3 =	rddreg [dreg:$0x2];
	[bflag:$0x3] =	sbarrier.arrive $0xFFFF;
	s2 =	simm.s32 @!p0 $0x1C01  }
0x48: {  	[timem:s3], [sflag:s2] =	dma.local @!p0 [hbm:s0], s1  }
0x49: {  	s0 =	simm.s32 @!p0 $0x1  }
0x4a: {  	_ =	swait.ge @!p0 [sflag:s0], s1  }
0x4b: {  	s1 =	ssub.s32 @!p0 $0x0, s1;
	[sflag:s0] =	ssyncset.done @!p0 $0x0  }
0x4c: {  	[sflag:s0] =	ssyncadd.s32 @!p0 s1  }
0x4d: {  	[bflag:$0x3] =	sbarrier.arrive $0xFFFF  }
0x4e: {  	_ =	shalt  }

// kernel: kernel.7.cloned.1.call-start
scs
__scs_entry_jumppad:
0x0: {  	(pc) =	sbr.rel $0x88, $3  }
0x1: {  	(tag) =	ssettag $0x0;
	lr =	simm.s32 $0x1  }
0x2: {  	[smem:$0x3F95] =	sst lr;
	_ =	strace $0xD0000000  }
0x3: {  	_ = 	snop  }
0x4: {  	_ = 	snop  }
0x5: {  	_ = 	snop  }
0x6: {  	_ = 	snop  }
0x7: {  	_ = 	snop  }
__scs_overlays_trampoline_lowered:
0x8: {  	[smem:$0x3FA4] =	sst s0  }
0x9: {  	[smem:$0x3FA5] =	sst s1  }
0xa: {  	[smem:$0x3FA6] =	sst s2  }
0xb: {  	[smem:$0x3FA7] =	sst s3  }
0xc: {  	[smem:$0x3FA8] =	sst s4  }
0xd: {  	[smem:$0x3FA9] =	sst s5  }
0xe: {  	[smem:$0x3FAA] =	sst s6  }
0xf: {  	[smem:$0x3FAB] =	sst s7  }
0x10: {  	[smem:$0x3FAC] =	sst s8  }
0x11: {  	[smem:$0x3FAD] =	sst s9;
	s0 =	simm.s32 @!p0 $0x0  }
0x12: {  	s1 =	sld [smem:$0x3F93];
	s0 =	simm.s32 @p0 $0x1  }
0x13: {  	[smem:$0x3FAE] =	sst s0;
	s0 =	simm.s32 @!p1 $0x0  }
0x14: {  	s2 =	sld [smem:$0x3F92];
	s0 =	simm.s32 @p1 $0x1  }
0x15: {  	[smem:$0x3FAF] =	sst s0;
	s0 =	simm.s32 @!p2 $0x0  }
0x16: {  	s3 =	sld [smem:$0x3FDB];
	s0 =	simm.s32 @p2 $0x1  }
0x17: {  	s4 =	simm.s32 $0x1BF5;
	[smem:$0x3FB1] =	sst s0  }
0x18: {  	s0 =	sld [smem:$0x3F94];
	_ =	swait.ge [sflag:s4], $0x0  }
0x19: {  	s7 =	sld [smem:$0x3F95]  }
0x1a: {  	s8 =	sadd.s32 $0xFFFFE003, lr  }
0x1b: {  	s9 =	sadd.s32 $0xFFFFFEF7, lr;
	s5 =	simm.s32 $0xFFFFFFFF;
	p2 =	slt.u32 s8, $0xFFFFF086  }
0x1c: {  	p1 =	slt.u32 s9, $0xF7A;
	s5 =	simm.s32 @!p2 $0x0  }
0x1d: {  	s5 =	simm.s32 @p1 $0x1;
	p0 =	seq.s32 s7, s2  }
0x1e: {  	s7 =	smul.u32 @!p0 $0xF7A, s2;
	p2 =	seq.s32 @!p0 s5, $0x0  }
0x1f: {  	s9 =	smul.u32 $0xF7A, s1;
	s8 =	simm.s32 @!p0 $0x1BF5;
	p2 =	por !p2, p0  }
0x20: {  	[sflag:s8] =	ssyncset.s32 @!p0 $0xFFFFF086;
	s6 =	sadd.s32 @!p0 s3, s7;
	s7 =	simm.s32 @!p0 $0x108  }
0x21: {  	s3 =	sadd.s32 s3, s9;
	s6 =	sadd.s32 @!p0 $0x88, s6;
	s7 =	simm.s32 @p2 $0x1082  }
0x22: {  	[simem:s7], [sflag:s8] =	dma.local @!p0 [hbm:s6], $0xF7A  }
0x23: {  	s9 =	sor.u32 $0xD0000000, s2;
	s6 =	simm.s32 $0x108;
	_ =	swait.ge @!p0 [sflag:s8], $0x0  }
0x24: {  	s3 =	sadd.s32 $0x88, s3;
	s6 =	simm.s32 @!p1 $0x1082;
	[sflag:s4] =	ssyncset.s32 $0xFFFFF086  }
0x25: {  	[simem:s6], [sflag:s4] =	dma.local [hbm:s3], $0xF7A  }
0x26: {  	[smem:$0x3F95] =	sst s1;
	(tag) =	ssettag s2;
	_ =	strace s9  }
0x27: {  	s1 =	sld [smem:$0x3FA5]  }
0x28: {  	s2 =	sld [smem:$0x3FA6]  }
0x29: {  	s4 =	sld [smem:$0x3FA8]  }
0x2a: {  	p0 =	seq.s32 s5, $0x0;
	s5 =	sld [smem:$0x3FA9]  }
0x2b: {  	s6 =	sld [smem:$0x3FAA]  }
0x2c: {  	s7 =	sld [smem:$0x3FAB]  }
0x2d: {  	s3 =	simm.s32 $0x108;
	s8 =	sld [smem:$0x3FAC]  }
0x2e: {  	s3 =	simm.s32 @!p0 $0x1082;
	s9 =	sld [smem:$0x3FAD]  }
0x2f: {  	lr =	sadd.s32 s0, s3;
	s0 =	sld [smem:$0x3FA4]  }
0x30: {  	s3 =	sld [smem:$0x3FA7]  }
0x31: {  	[smem:$0x3FB0] =	sst s10  }
0x32: {  	s10 =	sld [smem:$0x3FAE];
	_ =	sdelay $0x3  }
0x33: {  	p0 =	seq.s32 s10, $0x1;
	s10 =	sld [smem:$0x3FB0];
	_ =	sdelay $0x3  }
0x34: {  	[smem:$0x3FB0] =	sst s10  }
0x35: {  	s10 =	sld [smem:$0x3FAF];
	_ =	sdelay $0x3  }
0x36: {  	p1 =	seq.s32 s10, $0x1;
	s10 =	sld [smem:$0x3FB0];
	_ =	sdelay $0x3  }
0x37: {  	[smem:$0x3FB0] =	sst s10  }
0x38: {  	s10 =	sld [smem:$0x3FB1]  }
0x39: {  	_ = 	snop;
	(pc) =	sbr.ind lr, $3  }
0x3a: {  	_ = 	snop  }
0x3b: {  	_ = 	snop  }
0x3c: {  	p2 =	seq.s32 s10, $0x1;
	s10 =	sld [smem:$0x3FB0]  }
0x3d: {  	_ =	shalt  }
0x3e: {  	_ =	shalt  }
0x3f: {  	_ =	shalt  }
0x40: {  	_ =	shalt  }
0x41: {  	_ =	shalt  }
0x42: {  	_ =	shalt  }
0x43: {  	_ =	shalt  }
0x44: {  	_ =	shalt  }
0x45: {  	_ =	shalt  }
0x46: {  	_ =	shalt  }
0x47: {  	_ =	shalt  }
0x48: {  	_ =	shalt  }
0x49: {  	_ =	shalt  }
0x4a: {  	_ =	shalt  }
0x4b: {  	_ =	shalt  }
0x4c: {  	_ =	shalt  }
0x4d: {  	_ =	shalt  }
0x4e: {  	_ =	shalt  }
0x4f: {  	_ =	shalt  }
0x50: {  	_ =	shalt  }
0x51: {  	_ =	shalt  }
0x52: {  	_ =	shalt  }
0x53: {  	_ =	shalt  }
0x54: {  	_ =	shalt  }
0x55: {  	_ =	shalt  }
0x56: {  	_ =	shalt  }
0x57: {  	_ =	shalt  }
0x58: {  	_ =	shalt  }
0x59: {  	_ =	shalt  }
0x5a: {  	_ =	shalt  }
0x5b: {  	_ =	shalt  }
0x5c: {  	_ =	shalt  }
0x5d: {  	_ =	shalt  }
0x5e: {  	_ =	shalt  }
0x5f: {  	_ =	shalt  }
0x60: {  	_ =	shalt  }
0x61: {  	_ =	shalt  }
0x62: {  	_ =	shalt  }
0x63: {  	_ =	shalt  }
0x64: {  	_ =	shalt  }
0x65: {  	_ =	shalt  }
0x66: {  	_ =	shalt  }
0x67: {  	_ =	shalt  }
0x68: {  	_ =	shalt  }
0x69: {  	_ =	shalt  }
0x6a: {  	_ =	shalt  }
0x6b: {  	_ =	shalt  }
0x6c: {  	_ =	shalt  }
0x6d: {  	_ =	shalt  }
0x6e: {  	_ =	shalt  }
0x6f: {  	_ =	shalt  }
0x70: {  	_ =	shalt  }
0x71: {  	_ =	shalt  }
0x72: {  	_ =	shalt  }
0x73: {  	_ =	shalt  }
0x74: {  	_ =	shalt  }
0x75: {  	_ =	shalt  }
0x76: {  	_ =	shalt  }
0x77: {  	_ =	shalt  }
0x78: {  	_ =	shalt  }
0x79: {  	_ =	shalt  }
0x7a: {  	_ =	shalt  }
0x7b: {  	_ =	shalt  }
0x7c: {  	_ =	shalt  }
0x7d: {  	_ =	shalt  }
0x7e: {  	_ =	shalt  }
0x7f: {  	_ =	shalt  }
0x80: {  	_ =	shalt  }
0x81: {  	_ =	shalt  }
0x82: {  	_ =	shalt  }
0x83: {  	_ =	shalt  }
0x84: {  	_ =	shalt  }
0x85: {  	_ =	shalt  }
0x86: {  	_ =	shalt  }
0x87: {  	_ =	shalt  }
.Lfunc_end0:
.L_simem_size_0:
called_computation.1_lowered:
.L_overlay_start_0:
0x88: {  	s2 =	sld [smem:$0x3FD9]  }
0x89: {  	s3 =	sld [smem:$0x3FFE];
	_ =	sdelay $0x1  }
0x8a: {  	s1 =	srdreg.scid  }
0x8b: {  	s0 =	sand.u32 $0x1, s1  }
0x8c: {  	s30 =	sshll.u32 s0, $0xA;
	s2 =	sadd.s32 s3, s2  }
0x8d: {  	s2 =	sadd.s32 s2, s30  }
0x8e: {  	[smem:$0x3FBC] =	sst s2  }
0x8f: {  	_ = 	snop  }
0x90: {  	s2 =	sld [smem:$0x3FC3]  }
0x91: {  	s5 =	sld [smem:$0x3FD0]  }
0x92: {  	s31 =	sld [smem:$0x3FC2]  }
0x93: {  	s4 =	sld [smem:$0x3FC0]  }
0x94: {  	s7 =	simm.s32 $0xA;
	s8 =	simm.s32 $0x10;
	s6 =	sld [smem:$0x3FBE]  }
0x95: {  	[smem:s8], [sflag:s7] =	dma.local [hbm:s5], $0x1  }
0x96: {  	_ =	swait.eq [sflag:s7], $0x1  }
0x97: {  	s16 =	sld [smem:$0x10]  }
0x98: {  	s17 =	sld [smem:$0x11]  }
0x99: {  	s9 =	sld [smem:$0x12];
	[sflag:s7] =	ssyncset.done $0x0  }
0x9a: {  	s10 =	sld [smem:$0x13];
	[sflag:s7] =	ssyncadd.s32 $0xFFFFFFFF  }
0x9b: {  	s18 =	sld [smem:$0x14];
	(tm) =	ssettm $0x1  }
0x9c: {  	s11 =	sld [smem:$0x3FFB];
	_ =	sdelay $0x3  }
0x9d: {  	_ =	strace s11  }
0x9e: {  	s11 =	sld [smem:$0x3FFC];
	_ =	sdelay $0x3  }
0x9f: {  	_ =	strace s11  }
0xa0: {  	s11 =	sld [smem:$0x3FFD];
	_ =	sdelay $0x3  }
0xa1: {  	_ =	strace s11  }
0xa2: {  	_ =	strace $0x8FFFFFFF  }
0xa3: {  	s19 =	sld [smem:$0x3FDB];
	_ =	sdelay $0x1  }
0xa4: {  	s12 =	simm.s32 $_scs_section_size  }
0xa5: {  	s13 =	simm.s32 $_size__tile_overlayer_lowered;
	s14 =	simm.s32 $_tile_overlayer_lowered  }
0xa6: {  	s22 =	simm.s32 $0x1BFF;
	s21 =	sshll.u32 s14, $0x1;
	s11 =	sadd.s32 s12, s19  }
0xa7: {  	s15 =	simm.s32 $0x0;
	s20 =	sshll.u32 s13, $0x1;
	s13 =	sadd.s32 s21, s11  }
0xa8: {  	[timem:s15], [sflag:s22] =	dma.local [hbm:s13], s20  }
0xa9: {  	_ =	swait.ge [sflag:s22], s20  }
0xaa: {  	s12 =	ssub.s32 $0x0, s20;
	[sflag:s22] =	ssyncset.done $0x0  }
0xab: {  	[sflag:s22] =	ssyncadd.s32 s12;
	_ =	sdelay $0x1  }
0xac: {  	s23 =	simm.s32 $0x1B8B  }
0xad: {  	_ =	swait.ge [sflag:s23], $0x1  }
0xae: {  	[sflag:s23] =	ssyncset.done $0x0  }
0xaf: {  	s25 =	simm.s32 $0x1B8E;
	s24 =	sld [smem:$0x3FFE];
	[sflag:s23] =	ssyncadd.s32 $0xFFFFFFFF  }
0xb0: {  	s26 =	simm.s32 $execute0_lowered;
	[smem:$0x3FD2] =	sst s25  }
0xb1: {  	s13 =	sshll.u32 s26, $0x1;
	_ =	strace $0x80000049;
	[dreg:$0x1] =	wrdreg $0xFFFFFFFF  }
0xb2: {  	s28 =	simm.s32 $_size_execute0_lowered;
	s11 =	sadd.s32 s11, s13;
	[dreg:$0x0] =	wrdreg $0x0  }
0xb3: {  	s13 =	sshll.u32 s28, $0x1;
	[dreg:$0x2] =	wrdreg s11  }
0xb4: {  	[dreg:$0x3] =	wrdreg s13  }
0xb5: {  	[dreg:$0x4] =	wrdreg $0xC0  }
0xb6: {  	_ =	task [dreg:s15], $0x5FFFF  }
0xb7: {  	[dreg:$0x1] =	wrdreg $0xFFFFFFFF  }
0xb8: {  	[dreg:$0x0] =	wrdreg $0x60  }
0xb9: {  	[dreg:$0x2] =	wrdreg s24  }
0xba: {  	[dreg:$0x3] =	wrdreg s6  }
0xbb: {  	[dreg:$0x4] =	wrdreg s10  }
0xbc: {  	[dreg:$0x5] =	wrdreg s16  }
0xbd: {  	[dreg:$0x6] =	wrdreg s2  }
0xbe: {  	[dreg:$0x7] =	wrdreg s31  }
0xbf: {  	[dreg:$0x8] =	wrdreg s4  }
0xc0: {  	[dreg:$0x9] =	wrdreg s17  }
0xc1: {  	[dreg:$0xa] =	wrdreg s9  }
0xc2: {  	[dreg:$0xb] =	wrdreg s18  }
0xc3: {  	[dreg:$0xc] =	wrdreg $0x112000  }
0xc4: {  	[dreg:$0xd] =	wrdreg $0x9  }
0xc5: {  	_ =	task.clear_ibuf [dreg:s15], $0xEFFFF;
	_ =	strace $0x90000049  }
0xc6: {  	s29 =	simm.s32 $0x9;
	_ =	strace $0x8000004B  }
0xc7: {  	_ =	swait.ge [sflag:s29], $0x1  }
0xc8: {  	[sflag:s29] =	ssyncadd.s32 $0xFFFFFFFF  }
0xc9: {  	_ =	strace $0x9000004B  }
0xca: {  	_ =	sfence  }
0xcb: {  	s30 =	sld [smem:$0x0];
	_ =	sdelay $0x2  }
0xcc: {  	s31 =	sshll.u32 s1, $0xD;
	s1 =	sshrl.u32 s1, $0x2  }
0xcd: {  	s3 =	sand.u32 $0x4000, s31;
	s1 =	sadd.s32 s1, s30  }
0xce: {  	s0 =	sor.u32 s3, s0;
	s1 =	sshll.u32 s1, $0x11  }
0xcf: {  	s0 =	sor.u32 s1, s0  }
0xd0: {  	s0 =	sadd.s32 $0x8F2B, s0  }
0xd1: {  	[sflag:s0] =	ssyncadd.remote.s32 $0x1  }
0xd2: {  	_ =	sfence.sel $0xFFFF  }
0xd3: {  	[dreg:$0x0] =	wrdreg $0xFFFFFFFF;
	(pc) =	sbr.abs _section_cstart, $3  }
0xd4: {  	[dreg:$0x1] =	wrdreg $0xFFFFFFFF  }
0xd5: {  	_ =	task.clear_ibuf [dreg:s15], $0x2FFFF;
	_ =	strace $0x9FFFFFFF  }
0xd6: {  	(tm) =	ssettm $0x7FFFFFFF  }
0xd7: {  	_ =	shalt  }
tec
execute0_lowered:
.L_overlay_start_1:
0x0: {  	(tag) =	ssettag $0x1  }
0x1: {  	s3 =	rddreg [dreg:$0x0]  }
0x2: {  	s7 =	rddreg [dreg:$0x1]  }
0x3: {  	s0 =	rddreg [dreg:$0x2]  }
0x4: {  	s1 =	rddreg [dreg:$0x3]  }
0x5: {  	s2 =	rddreg [dreg:$0x4]  }
0x6: {  	s4 =	rddreg [dreg:$0x5]  }
0x7: {  	s5 =	rddreg [dreg:$0x6]  }
0x8: {  	s14 =	rddreg [dreg:$0x7]  }
0x9: {  	s15 =	rddreg [dreg:$0x8]  }
0xa: {  	s16 =	rddreg [dreg:$0x9]  }
0xb: {  	s17 =	rddreg [dreg:$0xa];
	s6 =	simm.s32 $0x0;
	s10 =	srdreg.scid  }
0xc: {  	s11 =	stileid.u32;
	s28 =	simm.s32 $0x80;
	s29 =	simm.s32 $0x100  }
0xd: {  	s30 =	simm.s32 $0x180;
	[smem:$0x7FF] =	sst s6;
	s18 =	sand.u32 $0x1, s10  }
0xe: {  	s8 =	sadd.s32 $0x800, s3;
	s19 =	sshll.u32 s11, $0xA;
	s13 =	sshll.u32 s18, $0x9  }
0xf: {  	s9 =	sadd.s32 $0x1702800, s3;
	s10 =	sadd.s32 $0xF61600, s3;
	s20 =	sor.u32 s13, s19  }
0x10: {  	s11 =	sadd.s32 $0x5C600, s3;
	s12 =	sadd.s32 $0x3DC00, s3;
	s21 =	sshrl.u32 s20, $0x3  }
0x11: {  	_ =	strace $0x8000004A;
	s18 =	ssub.s32 $0x2, s18;
	s23 =	sadd.s32 s7, s21  }
0x12: {  	s13 =	sadd.s32 $0x1F200, s3;
	s14 =	sadd.s32 s14, s21;
	[dreg:$0xc] =	wrdreg s23  }
0x13: {  	s22 =	sshrl.u32 s18, $0x1;
	s24 =	sadd.s32 s15, s21;
	[dreg:$0x10] =	wrdreg s14  }
0x14: {  	s31 =	ssub.s32 s18, s22;
	s25 =	sadd.s32 s16, s21;
	[dreg:$0x11] =	wrdreg s24  }
0x15: {  	s20 =	sshll.u32 s20, $0x3;
	s31 =	smax.u32 s31, $0x1;
	[dreg:$0x12] =	wrdreg s25  }
0x16: {  	s3 =	sadd.s32 s20, s3;
	s20 =	sadd.s32 $0x10, s23;
	[dreg:$0x15] =	wrdreg s31  }
0x17: {  	s18 =	sadd.s32 s19, s17;
	s22 =	sadd.s32 $0x20, s23;
	[dreg:$0xd] =	wrdreg s20  }
0x18: {  	s17 =	simm.s32 $0x10A00;
	s23 =	sadd.s32 $0x30, s23;
	[dreg:$0xe] =	wrdreg s22  }
0x19: {  	s19 =	sadd.s32 $0x200, s18;
	s26 =	sadd.s32 $0x7B000, s3;
	[dreg:$0xf] =	wrdreg s23  }
0x1a: {  	s7 =	simm.s32 $0x1;
	s3 =	sadd.s32 $0x9B000, s3;
	[dreg:$0x13] =	wrdreg s26  }
0x1b: {  	s15 =	simm.s32 $0x10600;
	s24 =	simm.s32 $0x0;
	[dreg:$0x14] =	wrdreg s3  }
0x1c: {  	v0 =	vimm.f32 $0.0e+00;
	s26 =	simm.s32 $0x3;
	s20 =	simm.s32 $0x10E00;
	s23 =	simm.s32 $0x2  }
.LBB2_1:
0x1d: {  	s3 =	rddreg [dreg:$0xc]  }
0x1e: {  	[tilespmem:s6], [sflag:$0x3] =	stream.linear.gather [hbm4b:s3+s6], $0x80, $0x38;
	[tilespmem:$0x11600] =	vst v63  }
0x1f: {  	_ =	swait.ge [sflag:s26], $0x80  }
0x20: {  	[sflag:s26] =	ssyncset.done $0x0  }
0x21: {  	s14 =	rddreg [dreg:$0xd];
	[sflag:s26] =	ssyncadd.s32 $0xFFFFFF80  }
0x22: {  	[tilespmem:s28], [sflag:$0x3] =	stream.linear.gather [hbm4b:s14+s6], $0x80, $0x38;
	[tilespmem:$0x11600] =	vst v63  }
0x23: {  	_ =	swait.ge [sflag:s26], $0x80  }
0x24: {  	[sflag:s26] =	ssyncset.done $0x0  }
0x25: {  	s16 =	rddreg [dreg:$0xe];
	[sflag:s26] =	ssyncadd.s32 $0xFFFFFF80  }
0x26: {  	[tilespmem:s29], [sflag:$0x3] =	stream.linear.gather [hbm4b:s16+s6], $0x80, $0x38;
	[tilespmem:$0x11600] =	vst v63  }
0x27: {  	_ =	swait.ge [sflag:s26], $0x80  }
0x28: {  	[sflag:s26] =	ssyncset.done $0x0  }
0x29: {  	s21 =	rddreg [dreg:$0xf];
	[sflag:s26] =	ssyncadd.s32 $0xFFFFFF80  }
0x2a: {  	[tilespmem:s30], [sflag:$0x3] =	stream.linear.gather [hbm4b:s21+s6], $0x80, $0x38;
	[tilespmem:$0x11600] =	vst v63  }
0x2b: {  	_ =	swait.ge [sflag:s26], $0x80  }
0x2c: {  	[sflag:s26] =	ssyncset.done $0x0  }
0x2d: {  	s22 =	simm.s32 $0x200;
	[sflag:s26] =	ssyncadd.s32 $0xFFFFFF80  }
0x2e: {  	[tilespmem:s22], [sflag:$0x1] =	stream.indirect.gather [hbm4b:s8+s28], $0x1, s6, s28, $0xb8;
	[tilespmem:$0x11600] =	vst v63  }
0x2f: {  	s14 =	simm.s32 $0x280  }
0x30: {  	[tilespmem:s14], [sflag:$0x1] =	stream.indirect.gather [hbm4b:s8+s28], $0x1, s28, s28, $0xb8;
	[tilespmem:$0x11600] =	vst v63  }
0x31: {  	s25 =	simm.s32 $0x300  }
0x32: {  	[tilespmem:s25], [sflag:$0x1] =	stream.indirect.gather [hbm4b:s8+s28], $0x1, s29, s28, $0xb8;
	[tilespmem:$0x11600] =	vst v63  }
0x33: {  	s31 =	simm.s32 $0x380  }
0x34: {  	[tilespmem:s31], [sflag:$0x1] =	stream.indirect.gather [hbm4b:s8+s28], $0x1, s30, s28, $0xb8;
	[tilespmem:$0x11600] =	vst v63  }
0x35: {  	_ =	swait.ge [sflag:s7], $0x80  }
0x36: {  	[sflag:s7] =	ssyncset.done $0x0  }
0x37: {  	[sflag:s7] =	ssyncadd.s32 $0xFFFFFF80  }
0x38: {  	_ =	swait.ge [sflag:s7], $0x80  }
0x39: {  	[sflag:s7] =	ssyncset.done $0x0  }
0x3a: {  	[sflag:s7] =	ssyncadd.s32 $0xFFFFFF80  }
0x3b: {  	_ =	swait.ge [sflag:s7], $0x80  }
0x3c: {  	[sflag:s7] =	ssyncset.done $0x0  }
0x3d: {  	[sflag:s7] =	ssyncadd.s32 $0xFFFFFF80  }
0x3e: {  	_ =	swait.ge [sflag:s7], $0x80  }
0x3f: {  	[sflag:s7] =	ssyncset.done $0x0  }
0x40: {  	[sflag:s7] =	ssyncadd.s32 $0xFFFFFF80  }
0x41: {  	[spmem:s18] =	stream.linear.scatter [tilespmem:s6], [sflag:$0x3], $0x200, $0x38;
	[tilespmem:$0x11600] =	vst v63  }
0x42: {  	_ =	swait.ge [sflag:s26], $0x200  }
0x43: {  	[sflag:s26] =	ssyncset.done $0x0  }
0x44: {  	[sflag:s26] =	ssyncadd.s32 $0xFFFFFE00  }
0x45: {  	[spmem:s19] =	stream.linear.scatter [tilespmem:s22], [sflag:$0x3], $0x200, $0x38;
	[tilespmem:$0x11600] =	vst v63  }
0x46: {  	_ =	swait.ge [sflag:s26], $0x200  }
0x47: {  	[sflag:s26] =	ssyncset.done $0x0  }
0x48: {  	[sflag:s26] =	ssyncadd.s32 $0xFFFFFE00  }
0x49: {  	[smem:s6], [sflag:$0x3] =	stream.linear.gather [spmem:s18], $0x200, $0x38;
	[tilespmem:$0x11600] =	vst v63  }
0x4a: {  	_ =	swait.ge [sflag:s26], $0x200  }
0x4b: {  	[sflag:s26] =	ssyncset.done $0x0  }
0x4c: {  	[sflag:s26] =	ssyncadd.s32 $0xFFFFFE00  }
0x4d: {  	[smem:s22], [sflag:$0x3] =	stream.linear.gather [spmem:s19], $0x200, $0x38;
	[tilespmem:$0x11600] =	vst v63  }
0x4e: {  	_ =	swait.ge [sflag:s26], $0x200  }
0x4f: {  	[sflag:s26] =	ssyncset.done $0x0  }
0x50: {  	s3 =	simm.s32 $0x0;
	[sflag:s26] =	ssyncadd.s32 $0xFFFFFE00  }
0x51: {  	s16 =	simm.s32 $0x40;
	v1 =	vld [tilespmem:s3+$0x200]  }
.LBB2_2:
0x52: {  	_ =	sdelay $0x1  }
0x53: {  	p0 =	sne.s32 s16, $0x7C0  }
.Ltmp0:
0x54: {  	_ = 	snop;
	(pc) =	sbr.rel @p0 .LBB2_2-.Ltmp0, $4  }
0x55: {  	v2 =	vadd.s32 $0xFFFFFFFF, v1  }
0x56: {  	vm0 =	vgt.s32 v2, $0x0  }
0x57: {  	s14 =	sshra.s32 s16, $0x2;
	v2 =	vnsel vm0, $0x0, v2  }
0x58: {  	s16 =	sadd.s32 $0x40, s16;
	v1 =	vld [tilespmem:s14+$0x200];
	[tilespmem:s3+$0x400] =	vst v2;
	s3 =	smov.u32 s14  }
0x59: {  	_ =	sdelay $0x3  }
0x5a: {  	v1 =	vadd.s32 $0xFFFFFFFF, v1  }
0x5b: {  	vm0 =	vgt.s32 v1, $0x0  }
0x5c: {  	v1 =	vnsel vm0, $0x0, v1  }
0x5d: {  	s25 =	simm.s32 $0x0;
	[tilespmem:s3+$0x400] =	vst v1  }
0x5e: {  	[tilespmem:s15], [sflag:$0x1] =	stream.indirect.gather [hbm4b:s11+s28], $0x1, s25, s28, $0xb8;
	[tilespmem:$0x11600] =	vst v63  }
0x5f: {  	s14 =	simm.s32 $0x400;
	s31 =	simm.s32 $0x10800  }
0x60: {  	[tilespmem:s31], [sflag:$0x1] =	stream.indirect.gather [hbm4b:s2+s28], $0x1, s14, s28, $0xb8;
	[tilespmem:$0x11600] =	vst v63  }
0x61: {  	_ = 	snop  }
0x62: {  	[tilespmem:s17], [sflag:$0x1] =	stream.indirect.gather [hbm4b:s12+s28], $0x1, s25, s28, $0xb8;
	[tilespmem:$0x11600] =	vst v63  }
0x63: {  	s16 =	simm.s32 $0x10C00  }
0x64: {  	[tilespmem:s16], [sflag:$0x1] =	stream.indirect.gather [hbm4b:s4+s28], $0x1, s14, s28, $0xb8;
	[tilespmem:$0x11600] =	vst v63  }
0x65: {  	_ = 	snop  }
0x66: {  	[tilespmem:s20], [sflag:$0x1] =	stream.indirect.gather [hbm4b:s13+s28], $0x1, s25, s28, $0xb8;
	[tilespmem:$0x11600] =	vst v63  }
0x67: {  	s17 =	simm.s32 $0x11000  }
0x68: {  	[tilespmem:s17], [sflag:$0x1] =	stream.indirect.gather [hbm4b:s5+s28], $0x1, s14, s28, $0xb8;
	[tilespmem:$0x11600] =	vst v63  }
0x69: {  	s20 =	simm.s32 $0x10680  }
0x6a: {  	[tilespmem:s20], [sflag:$0x1] =	stream.indirect.gather [hbm4b:s11+s28], $0x1, s28, s28, $0xb8;
	[tilespmem:$0x11600] =	vst v63  }
0x6b: {  	s21 =	simm.s32 $0x480;
	s22 =	simm.s32 $0x10880  }
0x6c: {  	[tilespmem:s22], [sflag:$0x1] =	stream.indirect.gather [hbm4b:s2+s28], $0x1, s21, s28, $0xb8;
	[tilespmem:$0x11600] =	vst v63  }
0x6d: {  	s25 =	simm.s32 $0x10A80  }
0x6e: {  	[tilespmem:s25], [sflag:$0x1] =	stream.indirect.gather [hbm4b:s12+s28], $0x1, s28, s28, $0xb8;
	[tilespmem:$0x11600] =	vst v63  }
0x6f: {  	s31 =	simm.s32 $0x10C80  }
0x70: {  	[tilespmem:s31], [sflag:$0x1] =	stream.indirect.gather [hbm4b:s4+s28], $0x1, s21, s28, $0xb8;
	[tilespmem:$0x11600] =	vst v63  }
0x71: {  	s15 =	simm.s32 $0x10E80  }
0x72: {  	[tilespmem:s15], [sflag:$0x1] =	stream.indirect.gather [hbm4b:s13+s28], $0x1, s28, s28, $0xb8;
	[tilespmem:$0x11600] =	vst v63  }
0x73: {  	s16 =	simm.s32 $0x11080  }
0x74: {  	[tilespmem:s16], [sflag:$0x1] =	stream.indirect.gather [hbm4b:s5+s28], $0x1, s21, s28, $0xb8;
	[tilespmem:$0x11600] =	vst v63  }
0x75: {  	s17 =	simm.s32 $0x10700  }
0x76: {  	[tilespmem:s17], [sflag:$0x1] =	stream.indirect.gather [hbm4b:s11+s28], $0x1, s29, s28, $0xb8;
	[tilespmem:$0x11600] =	vst v63  }
0x77: {  	s20 =	simm.s32 $0x500;
	s21 =	simm.s32 $0x10900  }
0x78: {  	[tilespmem:s21], [sflag:$0x1] =	stream.indirect.gather [hbm4b:s2+s28], $0x1, s20, s28, $0xb8;
	[tilespmem:$0x11600] =	vst v63  }
0x79: {  	s22 =	simm.s32 $0x10B00  }
0x7a: {  	[tilespmem:s22], [sflag:$0x1] =	stream.indirect.gather [hbm4b:s12+s28], $0x1, s29, s28, $0xb8;
	[tilespmem:$0x11600] =	vst v63  }
0x7b: {  	s25 =	simm.s32 $0x10D00  }
0x7c: {  	[tilespmem:s25], [sflag:$0x1] =	stream.indirect.gather [hbm4b:s4+s28], $0x1, s20, s28, $0xb8;
	[tilespmem:$0x11600] =	vst v63  }
0x7d: {  	s31 =	simm.s32 $0x10F00  }
0x7e: {  	[tilespmem:s31], [sflag:$0x1] =	stream.indirect.gather [hbm4b:s13+s28], $0x1, s29, s28, $0xb8;
	[tilespmem:$0x11600] =	vst v63  }
0x7f: {  	s15 =	simm.s32 $0x11100  }
0x80: {  	[tilespmem:s15], [sflag:$0x1] =	stream.indirect.gather [hbm4b:s5+s28], $0x1, s20, s28, $0xb8;
	[tilespmem:$0x11600] =	vst v63  }
0x81: {  	s16 =	simm.s32 $0x10780  }
0x82: {  	[tilespmem:s16], [sflag:$0x1] =	stream.indirect.gather [hbm4b:s11+s28], $0x1, s30, s28, $0xb8;
	[tilespmem:$0x11600] =	vst v63  }
0x83: {  	s17 =	simm.s32 $0x580;
	s20 =	simm.s32 $0x10980  }
0x84: {  	[tilespmem:s20], [sflag:$0x1] =	stream.indirect.gather [hbm4b:s2+s28], $0x1, s17, s28, $0xb8;
	[tilespmem:$0x11600] =	vst v63  }
0x85: {  	s21 =	simm.s32 $0x10B80  }
0x86: {  	[tilespmem:s21], [sflag:$0x1] =	stream.indirect.gather [hbm4b:s12+s28], $0x1, s30, s28, $0xb8;
	[tilespmem:$0x11600] =	vst v63  }
0x87: {  	s22 =	simm.s32 $0x10D80  }
0x88: {  	[tilespmem:s22], [sflag:$0x1] =	stream.indirect.gather [hbm4b:s4+s28], $0x1, s17, s28, $0xb8;
	[tilespmem:$0x11600] =	vst v63  }
0x89: {  	s25 =	simm.s32 $0x10F80  }
0x8a: {  	[tilespmem:s25], [sflag:$0x1] =	stream.indirect.gather [hbm4b:s13+s28], $0x1, s30, s28, $0xb8;
	[tilespmem:$0x11600] =	vst v63  }
0x8b: {  	s31 =	simm.s32 $0x11180  }
0x8c: {  	[tilespmem:s31], [sflag:$0x1] =	stream.indirect.gather [hbm4b:s5+s28], $0x1, s17, s28, $0xb8;
	[tilespmem:$0x11600] =	vst v63  }
0x8d: {  	s14 =	sld [smem:$0x200];
	_ =	sdelay $0x2  }
0x8e: {  	p0 =	slt.s32 s14, $0x1  }
0x8f: {  	s16 =	sld @p0 [smem:$0x0];
	_ =	sdelay $0x1  }
0x90: {  	p0 =	por p0, p0  }
0x91: {  	s3 =	simm.s32 $0x600;
	s14 =	sshll.u32 @!p0 s14, $0x6;
	s16 =	sshll.u32 @p0 s16, $0x3  }
0x92: {  	s25 =	sld [smem:$0x201];
	s14 =	sadd.s32 @!p0 $0xFFFFFFC0, s14;
	s16 =	sand.u32 @p0 $0x1FFFFFF8, s16  }
0x93: {  	s31 =	simm.s32 @p0 $0x0;
	s14 =	sshrl.u32 @!p0 s14, $0x3;
	s17 =	sadd.s32 @p0 s9, s16  }
0x94: {  	[tilespmem:s3], [sflag:$0x2] =	stream.linear.gather @p0 [hbm4b:s17+s31], $0x40, $0x38;
	[tilespmem:$0x11600] =	vst v63  }
0x95: {  	s17 =	simm.s32 @!p0 $0x0;
	s31 =	sadd.s32 @!p0 s0, s14  }
0x96: {  	[tilespmem:s3], [sflag:$0x2] =	stream.linear.gather @!p0 [hbm4b:s31+s17], $0x40, $0x38;
	[tilespmem:$0x11600] =	vst v63  }
0x97: {  	s14 =	sadd.s32 @!p0 s1, s14;
	s17 =	sadd.s32 @p0 s10, s16  }
0x98: {  	s16 =	simm.s32 $0x8600;
	s14 =	smov.u32 @p0 s17;
	p0 =	slt.s32 s25, $0x1  }
0x99: {  	[tilespmem:s16], [sflag:$0x2] =	stream.linear.gather [hbm4b:s14+s6], $0x40, $0x38;
	[tilespmem:$0x11600] =	vst v63  }
0x9a: {  	s17 =	simm.s32 $0x8;
	s14 =	simm.s32 @p0 $0x1  }
.LBB2_4:
0x9b: {  	s31 =	sshra.s32 s17, $0x2;
	s14 =	sld @p0 [smem:s14+$0x0];
	s15 =	smov.u32 s25  }
0x9c: {  	p1 =	por p0, p0;
	s25 =	sld [smem:s31+$0x200];
	s31 =	smov.u32 s17  }
0x9d: {  	s3 =	sadd.s32 $0x40, s3;
	s15 =	sshll.u32 @!p1 s15, $0x6  }
0x9e: {  	s21 =	simm.s32 @p1 $0x0;
	s17 =	sadd.s32 $0x4, s17;
	s14 =	sshll.u32 @p1 s14, $0x3  }
0x9f: {  	s15 =	sadd.s32 @!p1 $0xFFFFFFC0, s15;
	p0 =	slt.s32 s25, $0x1;
	s14 =	sand.u32 @p1 $0x1FFFFFF8, s14  }
0xa0: {  	p2 =	sne.s32 s17, $0x800;
	s15 =	sshrl.u32 @!p1 s15, $0x3;
	s20 =	sadd.s32 @p1 s9, s14  }
0xa1: {  	[tilespmem:s3], [sflag:$0x2] =	stream.linear.gather @p1 [hbm4b:s20+s21], $0x40, $0x38;
	[tilespmem:$0x11600] =	vst v63  }
.Ltmp1:
0xa2: {  	s20 =	simm.s32 @!p1 $0x0;
	s21 =	sadd.s32 @!p1 s1, s15;
	(pc) =	sbr.rel @p2 .LBB2_4-.Ltmp1, $4  }
0xa3: {  	s22 =	sadd.s32 @p1 s10, s14;
	s14 =	sadd.s32 @!p1 s0, s15  }
0xa4: {  	[tilespmem:s3], [sflag:$0x2] =	stream.linear.gather @!p1 [hbm4b:s14+s20], $0x40, $0x38;
	[tilespmem:$0x11600] =	vst v63  }
0xa5: {  	s16 =	sadd.s32 $0x40, s16;
	s21 =	smov.u32 @p1 s22;
	s14 =	sshra.s32 @p0 s31, $0x2  }
0xa6: {  	[tilespmem:s16], [sflag:$0x2] =	stream.linear.gather [hbm4b:s21+s6], $0x40, $0x38;
	[tilespmem:$0x11600] =	vst v63  }
0xa7: {  	s14 =	sld @p0 [smem:s14+$0x0];
	_ =	sdelay $0x1  }
0xa8: {  	p0 =	por p0, p0  }
0xa9: {  	s3 =	sadd.s32 $0x40, s3;
	s15 =	sshll.u32 @!p0 s25, $0x6;
	s14 =	sshll.u32 @p0 s14, $0x3  }
0xaa: {  	s20 =	simm.s32 @p0 $0x0;
	s15 =	sadd.s32 @!p0 $0xFFFFFFC0, s15;
	s14 =	sand.u32 @p0 $0x1FFFFFF8, s14  }
0xab: {  	s15 =	sshrl.u32 @!p0 s15, $0x3;
	s17 =	sadd.s32 @p0 s9, s14;
	s14 =	sadd.s32 @p0 s10, s14  }
0xac: {  	[tilespmem:s3], [sflag:$0x2] =	stream.linear.gather @p0 [hbm4b:s17+s20], $0x40, $0x38;
	[tilespmem:$0x11600] =	vst v63  }
0xad: {  	s17 =	simm.s32 @!p0 $0x0;
	s20 =	sadd.s32 @!p0 s1, s15;
	s15 =	sadd.s32 @!p0 s0, s15  }
0xae: {  	[tilespmem:s3], [sflag:$0x2] =	stream.linear.gather @!p0 [hbm4b:s15+s17], $0x40, $0x38;
	[tilespmem:$0x11600] =	vst v63  }
0xaf: {  	s20 =	smov.u32 @p0 s14;
	s17 =	sadd.s32 $0x40, s16  }
0xb0: {  	[tilespmem:s17], [sflag:$0x2] =	stream.linear.gather [hbm4b:s20+s6], $0x40, $0x38;
	[tilespmem:$0x11600] =	vst v63  }
0xb1: {  	_ =	swait.ge [sflag:s7], $0x80  }
0xb2: {  	[sflag:s7] =	ssyncset.done $0x0  }
0xb3: {  	[sflag:s7] =	ssyncadd.s32 $0xFFFFFF80  }
0xb4: {  	_ =	swait.ge [sflag:s7], $0x80  }
0xb5: {  	[sflag:s7] =	ssyncset.done $0x0  }
0xb6: {  	[sflag:s7] =	ssyncadd.s32 $0xFFFFFF80  }
0xb7: {  	_ =	swait.ge [sflag:s7], $0x80  }
0xb8: {  	[sflag:s7] =	ssyncset.done $0x0  }
0xb9: {  	[sflag:s7] =	ssyncadd.s32 $0xFFFFFF80  }
0xba: {  	_ =	swait.ge [sflag:s7], $0x80  }
0xbb: {  	[sflag:s7] =	ssyncset.done $0x0  }
0xbc: {  	[sflag:s7] =	ssyncadd.s32 $0xFFFFFF80  }
0xbd: {  	_ =	swait.ge [sflag:s7], $0x80  }
0xbe: {  	[sflag:s7] =	ssyncset.done $0x0  }
0xbf: {  	[sflag:s7] =	ssyncadd.s32 $0xFFFFFF80  }
0xc0: {  	_ =	swait.ge [sflag:s7], $0x80  }
0xc1: {  	[sflag:s7] =	ssyncset.done $0x0  }
0xc2: {  	[sflag:s7] =	ssyncadd.s32 $0xFFFFFF80  }
0xc3: {  	_ =	swait.ge [sflag:s7], $0x80  }
0xc4: {  	[sflag:s7] =	ssyncset.done $0x0  }
0xc5: {  	[sflag:s7] =	ssyncadd.s32 $0xFFFFFF80  }
0xc6: {  	_ =	swait.ge [sflag:s7], $0x80  }
0xc7: {  	[sflag:s7] =	ssyncset.done $0x0  }
0xc8: {  	[sflag:s7] =	ssyncadd.s32 $0xFFFFFF80  }
0xc9: {  	_ =	swait.ge [sflag:s7], $0x80  }
0xca: {  	[sflag:s7] =	ssyncset.done $0x0  }
0xcb: {  	[sflag:s7] =	ssyncadd.s32 $0xFFFFFF80  }
0xcc: {  	_ =	swait.ge [sflag:s7], $0x80  }
0xcd: {  	[sflag:s7] =	ssyncset.done $0x0  }
0xce: {  	[sflag:s7] =	ssyncadd.s32 $0xFFFFFF80  }
0xcf: {  	_ =	swait.ge [sflag:s7], $0x80  }
0xd0: {  	[sflag:s7] =	ssyncset.done $0x0  }
0xd1: {  	[sflag:s7] =	ssyncadd.s32 $0xFFFFFF80  }
0xd2: {  	_ =	swait.ge [sflag:s7], $0x80  }
0xd3: {  	[sflag:s7] =	ssyncset.done $0x0  }
0xd4: {  	[sflag:s7] =	ssyncadd.s32 $0xFFFFFF80  }
0xd5: {  	_ =	swait.ge [sflag:s7], $0x80  }
0xd6: {  	[sflag:s7] =	ssyncset.done $0x0  }
0xd7: {  	[sflag:s7] =	ssyncadd.s32 $0xFFFFFF80  }
0xd8: {  	_ =	swait.ge [sflag:s7], $0x80  }
0xd9: {  	[sflag:s7] =	ssyncset.done $0x0  }
0xda: {  	[sflag:s7] =	ssyncadd.s32 $0xFFFFFF80  }
0xdb: {  	_ =	swait.ge [sflag:s7], $0x80  }
0xdc: {  	[sflag:s7] =	ssyncset.done $0x0  }
0xdd: {  	[sflag:s7] =	ssyncadd.s32 $0xFFFFFF80  }
0xde: {  	_ =	swait.ge [sflag:s7], $0x80  }
0xdf: {  	[sflag:s7] =	ssyncset.done $0x0  }
0xe0: {  	[sflag:s7] =	ssyncadd.s32 $0xFFFFFF80  }
0xe1: {  	_ =	swait.ge [sflag:s7], $0x80  }
0xe2: {  	[sflag:s7] =	ssyncset.done $0x0  }
0xe3: {  	[sflag:s7] =	ssyncadd.s32 $0xFFFFFF80  }
0xe4: {  	_ =	swait.ge [sflag:s7], $0x80  }
0xe5: {  	[sflag:s7] =	ssyncset.done $0x0  }
0xe6: {  	[sflag:s7] =	ssyncadd.s32 $0xFFFFFF80  }
0xe7: {  	_ =	swait.ge [sflag:s7], $0x80  }
0xe8: {  	[sflag:s7] =	ssyncset.done $0x0  }
0xe9: {  	[sflag:s7] =	ssyncadd.s32 $0xFFFFFF80  }
0xea: {  	_ =	swait.ge [sflag:s7], $0x80  }
0xeb: {  	[sflag:s7] =	ssyncset.done $0x0  }
0xec: {  	[sflag:s7] =	ssyncadd.s32 $0xFFFFFF80  }
0xed: {  	_ =	swait.ge [sflag:s7], $0x80  }
0xee: {  	[sflag:s7] =	ssyncset.done $0x0  }
0xef: {  	[sflag:s7] =	ssyncadd.s32 $0xFFFFFF80  }
0xf0: {  	_ =	swait.ge [sflag:s7], $0x80  }
0xf1: {  	[sflag:s7] =	ssyncset.done $0x0  }
0xf2: {  	[sflag:s7] =	ssyncadd.s32 $0xFFFFFF80  }
0xf3: {  	_ =	swait.ge [sflag:s7], $0x80  }
0xf4: {  	[sflag:s7] =	ssyncset.done $0x0  }
0xf5: {  	s3 =	simm.s32 $0x0;
	[sflag:s7] =	ssyncadd.s32 $0xFFFFFF80  }
0xf6: {  	s20 =	sand.u32 $0x600, s3;
	_ =	swait.ge [sflag:s7], $0x80  }
0xf7: {  	s21 =	sand.u32 $0x70, s3;
	s14 =	sshrl.u32 s20, $0x2;
	[sflag:s7] =	ssyncset.done $0x0  }
0xf8: {  	s14 =	sor.u32 s21, s14;
	[sflag:s7] =	ssyncadd.s32 $0xFFFFFF80  }
0xf9: {  	v1 =	vld [tilespmem:s14+$0x200];
	_ =	sdelay $0x4  }
0xfa: {  	vm0 =	vgt.s32 v1, $0x0  }
0xfb: {  	v2 =	vsel vm0, $0x3F800000, v0  }
0xfc: {  	(xrf0) =	vmax.scan.msk.f32 $0xffff, v2;
	_ =	sdelay $0x5  }
0xfd: {  	v2, _, _ =	vpop (xrf0)  }
0xfe: {  	(v2sf) =	vpush v2, $0xF;
	_ =	sdelay $0xe  }
0xff: {  	s22 =	spop (v2sf)  }
0x100: {  	p1 =	sgt.f32 s22, $0.0e+00;
	_ =	sdelay $0x1  }
0x101: {  	vm0 =	vgt.s32 @p1 v1, $0x0;
	v1 =	vlaneseq.u32 @p1  }
0x102: {  	v1 =	vor.u32 @p1 s3, v1;
	_ =	sdelay $0x3  }
0x103: {  	s3 =	simm.s32 @p1 $0x10800  }
0x104: {  	v2 =	vld.idx.msk @p1 [tilespmem:v1+s3+$0x0], vm0;
	_ =	sdelay $0x3  }
0x105: {  	s3 =	simm.s32 @p1 $0x10600  }
0x106: {  	[tilespmem:v1+s3+$0x0] =	vst.idx.msk @p1 vm0, v2;
	s3 =	simm.s32 @p1 $0x10C00  }
0x107: {  	v2 =	vld.idx.msk @p1 [tilespmem:v1+s3+$0x0], vm0;
	_ =	sdelay $0x3  }
0x108: {  	s15 =	simm.s32 @p1 $0x10A00  }
0x109: {  	[tilespmem:v1+s15+$0x0] =	vst.idx.msk @p1 vm0, v2;
	s15 =	simm.s32 @p1 $0x11000  }
0x10a: {  	v2 =	vld.idx.msk @p1 [tilespmem:v1+s15+$0x0], vm0  }
0x10b: {  	s25 =	simm.s32 $0x40  }
0x10c: {  	s31 =	sand.u32 $0x600, s25  }
0x10d: {  	s25 =	simm.s32 $0x10;
	s16 =	sshrl.u32 s31, $0x2  }
0x10e: {  	s14 =	sand.u32 $0x70, s25;
	s17 =	simm.s32 @p1 $0x10E00;
	s3 =	simm.s32 $0x80  }
.LBB2_6:
0x10f: {  	s14 =	sor.u32 s14, s16;
	[tilespmem:v1+s17+$0x0] =	vst.idx.msk @p1 vm0, v2;
	s16 =	smov.u32 s3;
	s3 =	sadd.s32 $0x40, s3  }
0x110: {  	p0 =	sne.s32 s3, $0x800;
	v1 =	vld [tilespmem:s14+$0x200];
	_ =	sdelay $0x4  }
0x111: {  	vm0 =	vgt.s32 v1, $0x0  }
0x112: {  	v2 =	vsel vm0, $0x3F800000, v0  }
0x113: {  	(xrf0) =	vmax.scan.msk.f32 $0xffff, v2;
	_ =	sdelay $0x5  }
0x114: {  	v2, _, _ =	vpop (xrf0)  }
0x115: {  	(v2sf) =	vpush v2, $0xF;
	_ =	sdelay $0xe  }
0x116: {  	s14 =	spop (v2sf)  }
0x117: {  	p1 =	sgt.f32 s14, $0.0e+00;
	_ =	sdelay $0x1  }
0x118: {  	vm0 =	vgt.s32 @p1 v1, $0x0;
	v1 =	vlaneseq.u32 @p1  }
0x119: {  	v1 =	vor.u32 @p1 s25, v1;
	_ =	sdelay $0x3  }
0x11a: {  	s14 =	simm.s32 @p1 $0x10800  }
0x11b: {  	v2 =	vld.idx.msk @p1 [tilespmem:v1+s14+$0x0], vm0;
	_ =	sdelay $0x4  }
0x11c: {  	s14 =	simm.s32 @p1 $0x10600  }
0x11d: {  	[tilespmem:v1+s14+$0x0] =	vst.idx.msk @p1 vm0, v2;
	s14 =	simm.s32 @p1 $0x10C00  }
0x11e: {  	v2 =	vld.idx.msk @p1 [tilespmem:v1+s14+$0x0], vm0;
	_ =	sdelay $0x4  }
0x11f: {  	s14 =	simm.s32 @p1 $0x10A00  }
0x120: {  	[tilespmem:v1+s14+$0x0] =	vst.idx.msk @p1 vm0, v2;
	s14 =	simm.s32 @p1 $0x11000  }
0x121: {  	v2 =	vld.idx.msk @p1 [tilespmem:v1+s14+$0x0], vm0  }
.Ltmp2:
0x122: {  	(pc) =	sbr.rel @p0 .LBB2_6-.Ltmp2, $3  }
0x123: {  	_ =	sdelay $0x1  }
0x124: {  	s15 =	sand.u32 $0x600, s16;
	s25 =	sadd.s32 $0x10, s25  }
0x125: {  	s16 =	sshrl.u32 s15, $0x2;
	s17 =	simm.s32 @p1 $0x10E00;
	s14 =	sand.u32 $0x70, s25  }
0x126: {  	_ =	sdelay $0x4  }
0x127: {  	s3 =	sor.u32 s14, s16;
	[tilespmem:v1+s17+$0x0] =	vst.idx.msk @p1 vm0, v2  }
0x128: {  	v1 =	vld [tilespmem:s3+$0x200];
	_ =	sdelay $0x4  }
0x129: {  	vm15 =	vgt.s32 v1, $0x0  }
0x12a: {  	v2 =	vsel vm15, $0x3F800000, v0  }
0x12b: {  	(xrf0) =	vmax.scan.msk.f32 $0xffff, v2;
	_ =	sdelay $0x5  }
0x12c: {  	v2, _, _ =	vpop (xrf0)  }
0x12d: {  	(v2sf) =	vpush v2, $0xF;
	_ =	sdelay $0xe  }
0x12e: {  	s14 =	spop (v2sf)  }
0x12f: {  	p0 =	sgt.f32 s14, $0.0e+00;
	_ =	sdelay $0x1  }
0x130: {  	vm0 =	vgt.s32 @p0 v1, $0x0;
	v1 =	vlaneseq.u32 @p0  }
0x131: {  	v1 =	vor.u32 @p0 s25, v1;
	_ =	sdelay $0x3  }
0x132: {  	s3 =	simm.s32 @p0 $0x10800  }
0x133: {  	v2 =	vld.idx.msk @p0 [tilespmem:v1+s3+$0x0], vm0;
	_ =	sdelay $0x3  }
0x134: {  	s3 =	simm.s32 @p0 $0x10600  }
0x135: {  	[tilespmem:v1+s3+$0x0] =	vst.idx.msk @p0 vm0, v2;
	s3 =	simm.s32 @p0 $0x10C00  }
0x136: {  	v2 =	vld.idx.msk @p0 [tilespmem:v1+s3+$0x0], vm0;
	_ =	sdelay $0x3  }
0x137: {  	s3 =	simm.s32 @p0 $0x10A00  }
0x138: {  	[tilespmem:v1+s3+$0x0] =	vst.idx.msk @p0 vm0, v2;
	s3 =	simm.s32 @p0 $0x11000  }
0x139: {  	v2 =	vld.idx.msk @p0 [tilespmem:v1+s3+$0x0], vm0;
	_ =	sdelay $0x3  }
0x13a: {  	s3 =	simm.s32 @p0 $0x10E00  }
0x13b: {  	[tilespmem:v1+s3+$0x0] =	vst.idx.msk @p0 vm0, v2  }
0x13c: {  	_ =	swait.ge [sflag:s23], $0x8000  }
0x13d: {  	[sflag:s23] =	ssyncset.done $0x0  }
0x13e: {  	[sflag:s23] =	ssyncadd.s32 $0xFFFF8000  }
0x13f: {  	_ =	swait.ge [sflag:s23], $0x8000  }
0x140: {  	[sflag:s23] =	ssyncset.done $0x0  }
0x141: {  	s16 =	simm.s32 $0x600;
	s15 =	rddreg [dreg:$0x13];
	[sflag:s23] =	ssyncadd.s32 $0xFFFF8000  }
0x142: {  	[hbm4b:s15+s6] =	stream.linear.scatter [tilespmem:s16], [sflag:$0x3], $0x8000, $0x38;
	[tilespmem:$0x11600] =	vst v63  }
0x143: {  	_ =	swait.ge [sflag:s26], $0x8000  }
0x144: {  	[sflag:s26] =	ssyncset.done $0x0  }
0x145: {  	s20 =	simm.s32 $0x8600;
	s17 =	rddreg [dreg:$0x14];
	[sflag:s26] =	ssyncadd.s32 $0xFFFF8000  }
0x146: {  	[hbm4b:s17+s6] =	stream.linear.scatter [tilespmem:s20], [sflag:$0x3], $0x8000, $0x38;
	[tilespmem:$0x11600] =	vst v63  }
0x147: {  	_ =	swait.ge [sflag:s26], $0x8000  }
0x148: {  	[sflag:s26] =	ssyncset.done $0x0  }
0x149: {  	s15 =	simm.s32 $0x10600;
	s21 =	rddreg [dreg:$0x10];
	[sflag:s26] =	ssyncadd.s32 $0xFFFF8000  }
0x14a: {  	[hbm4b:s21+s6] =	stream.linear.scatter [tilespmem:s15], [sflag:$0x3], $0x200, $0x38;
	[tilespmem:$0x11600] =	vst v63  }
0x14b: {  	_ =	swait.ge [sflag:s26], $0x200  }
0x14c: {  	[sflag:s26] =	ssyncset.done $0x0  }
0x14d: {  	s17 =	simm.s32 $0x10A00;
	s22 =	rddreg [dreg:$0x11];
	[sflag:s26] =	ssyncadd.s32 $0xFFFFFE00  }
0x14e: {  	[hbm4b:s22+s6] =	stream.linear.scatter [tilespmem:s17], [sflag:$0x3], $0x200, $0x38;
	[tilespmem:$0x11600] =	vst v63  }
0x14f: {  	_ =	swait.ge [sflag:s26], $0x200  }
0x150: {  	[sflag:s26] =	ssyncset.done $0x0  }
0x151: {  	s20 =	simm.s32 $0x10E00;
	s25 =	rddreg [dreg:$0x12];
	[sflag:s26] =	ssyncadd.s32 $0xFFFFFE00  }
0x152: {  	[hbm4b:s25+s6] =	stream.linear.scatter [tilespmem:s20], [sflag:$0x3], $0x200, $0x38;
	[tilespmem:$0x11600] =	vst v63  }
0x153: {  	_ =	swait.ge [sflag:s26], $0x200  }
0x154: {  	s24 =	sadd.s32 $0x1, s24;
	s31 =	rddreg [dreg:$0x15]  }
0x155: {  	p0 =	sne.s32 s24, s31  }
.Ltmp3:
0x156: {  	_ = 	snop;
	(pc) =	sbr.rel @p0 .LBB2_1-.Ltmp3, $3  }
0x157: {  	_ =	sdelay $0x1  }
0x158: {  	[sflag:s26] =	ssyncset.done $0x0  }
0x159: {  	[sflag:s26] =	ssyncadd.s32 $0xFFFFFE00  }
0x15a: {  	_ =	sfence.sel $0x180000  }
0x15b: {  	[bflag:$0x0] =	sbarrier.arrive $0xFFFF  }
0x15c: {  	_ =	strace $0x9000004A  }
0x15d: {  	s0 =	stileid.u32;
	[bflag:$0x2] =	sbarrier.arrive $0xFFFF  }
0x15e: {  	p0 =	sne.s32 s0, $0x0;
	s0 =	rddreg [dreg:$0xb]  }
0x15f: {  	s0 =	sadd.s32 @!p0 $0x100000, s0  }
0x160: {  	[sflag:s0] =	ssyncadd.tile.s32 @!p0 $0x1;
	_ =	shalt  }
.Lfunc_end2:
_tile_overlayer_lowered:
.L_overlay_start_2:
0x161: {  	(tag) =	ssettag $0x2  }
0x162: {  	s0 =	rddreg [dreg:$0x0];
	s2 =	stileid.u32  }
0x163: {  	s1 =	rddreg [dreg:$0x1];
	p0 =	sne.s32 s2, $0x0  }
0x164: {  	s3 =	rddreg [dreg:$0x2];
	[bflag:$0x3] =	sbarrier.arrive $0xFFFF;
	s2 =	simm.s32 @!p0 $0x1C03  }
0x165: {  	[timem:s3], [sflag:s2] =	dma.local @!p0 [hbm:s0], s1  }
0x166: {  	s0 =	simm.s32 @!p0 $0x3  }
0x167: {  	_ =	swait.ge @!p0 [sflag:s0], s1  }
0x168: {  	s1 =	ssub.s32 @!p0 $0x0, s1;
	[sflag:s0] =	ssyncset.done @!p0 $0x0  }
0x169: {  	[sflag:s0] =	ssyncadd.s32 @!p0 s1  }
0x16a: {  	[bflag:$0x3] =	sbarrier.arrive $0xFFFF  }
0x16b: {  	_ =	shalt  }

</sc_bundles>
